<compile_context>
chip_gen: v7x
topology: tpu7x:2x2x1
jax: 0.10.2.dev20260603
libtpu: 0.0.44.dev20260713+nightly
codegen_flags: <defaults>
</compile_context>

<pallas_src>
import functools

import jax
import jax.numpy as jnp
from jax import lax
from jax.experimental import pallas as pl
from jax.experimental.pallas import tpu as pltpu
from jax.experimental.pallas import tpu_sc as plsc

_NC = 2
_NS = 16
_NW = _NC * _NS
_CHUNK = 256


def kernel(user_inputs, item_inputs, user_table, item_table):
    batch = user_inputs.shape[0]
    embed_dim = user_table.shape[1]
    b_per_w = batch // _NW
    n_chunks = b_per_w // _CHUNK

    mesh = plsc.VectorSubcoreMesh(core_axis_name="c", subcore_axis_name="s")
    out_type = (
        jax.ShapeDtypeStruct((batch, embed_dim), user_table.dtype),
        jax.ShapeDtypeStruct((batch, embed_dim), item_table.dtype),
    )

    @functools.partial(
        pl.kernel,
        mesh=mesh,
        out_type=out_type,
        scratch_types=[
            pltpu.VMEM((b_per_w,), jnp.int32),
            pltpu.VMEM((b_per_w,), jnp.int32),
            pltpu.VMEM((_CHUNK, embed_dim), jnp.float32),
            pltpu.VMEM((_CHUNK, embed_dim), jnp.float32),
            pltpu.SemaphoreType.DMA,
            pltpu.SemaphoreType.DMA,
            pltpu.SemaphoreType.DMA,
            pltpu.SemaphoreType.DMA,
        ],
    )
    def _dual_gather(ut_hbm, it_hbm, ui_hbm, ii_hbm, uo_hbm, io_hbm,
                     uidx_v, iidx_v, urows_v, irows_v,
                     usem0, usem1, isem0, isem1):
        wid = lax.axis_index("s") * _NC + lax.axis_index("c")
        base = wid * b_per_w

        pltpu.sync_copy(ui_hbm.at[pl.ds(base, b_per_w)], uidx_v)
        pltpu.sync_copy(ii_hbm.at[pl.ds(base, b_per_w)], iidx_v)
        for c in range(n_chunks):
            off = c * _CHUNK

            @pl.loop(0, _CHUNK, step=16)
            def _(j0):
                uvec = uidx_v[pl.ds(off + j0, 16)]
                ivec = iidx_v[pl.ds(off + j0, 16)]
                for l in range(16):
                    pltpu.make_async_copy(
                        ut_hbm.at[pl.ds(uvec[l], 1)],
                        urows_v.at[pl.ds(j0 + l, 1)],
                        usem0 if l % 2 == 0 else usem1,
                    ).start()
                    pltpu.make_async_copy(
                        it_hbm.at[pl.ds(ivec[l], 1)],
                        irows_v.at[pl.ds(j0 + l, 1)],
                        isem0 if l % 2 == 0 else isem1,
                    ).start()

            half = _CHUNK // 2
            pltpu.make_async_copy(
                ut_hbm.at[pl.ds(0, half)], urows_v.at[pl.ds(0, half)], usem0
            ).wait()
            pltpu.make_async_copy(
                ut_hbm.at[pl.ds(0, half)], urows_v.at[pl.ds(0, half)], usem1
            ).wait()
            pltpu.sync_copy(urows_v, uo_hbm.at[pl.ds(base + off, _CHUNK)])
            pltpu.make_async_copy(
                it_hbm.at[pl.ds(0, half)], irows_v.at[pl.ds(0, half)], isem0
            ).wait()
            pltpu.make_async_copy(
                it_hbm.at[pl.ds(0, half)], irows_v.at[pl.ds(0, half)], isem1
            ).wait()
            pltpu.sync_copy(irows_v, io_hbm.at[pl.ds(base + off, _CHUNK)])

    return _dual_gather(user_table, item_table, user_inputs, item_inputs)

# --- scband reference (transcript-rebuilt; emitter-appended) ---
"""Pipeline reference for scband-twin-towers-model-5669356831112 (READ-ONLY COPY).

The authoritative reference and input builder live on the scoring server;
editing this copy changes nothing except your own understanding.
"""

import jax, jax.numpy as jnp
import numpy as np

USER_VOCAB = 1000000
ITEM_VOCAB = 1000000
EMBED_DIM = 32
BATCH = 16384


def setup_inputs(seed: int = 0) -> dict:
    key = jax.random.key(seed)
    k1, k2, k3, k4 = jax.random.split(key, 4)
    user_inputs = jax.random.randint(k1, (BATCH,), 0, USER_VOCAB, dtype=jnp.int64 if jax.config.jax_enable_x64 else jnp.int32)
    item_inputs = jax.random.randint(k2, (BATCH,), 0, ITEM_VOCAB, dtype=jnp.int64 if jax.config.jax_enable_x64 else jnp.int32)
    user_table = jax.random.normal(k3, (USER_VOCAB, EMBED_DIM), dtype=jnp.float32)
    item_table = jax.random.normal(k4, (ITEM_VOCAB, EMBED_DIM), dtype=jnp.float32)
    return {"user_inputs": user_inputs, "item_inputs": item_inputs, "user_table": user_table, "item_table": item_table}


def reference(user_inputs, item_inputs, user_table, item_table):
    user_embedding = jnp.take(user_table, user_inputs, axis=0)
    item_embedding = jnp.take(item_table, item_inputs, axis=0)
    return (user_embedding, item_embedding)

if __name__ == "__main__":
    import jax
    _d = setup_inputs()
    print(jax.jit(kernel)(*tuple(_d.values())))

</pallas_src>

<mosaic_0001>
#map = affine_map<(d0, d1) -> (0, 0)>
#map1 = affine_map<(d0, d1) -> (0)>
module attributes {stable_mosaic.version = 14 : i64} {
  func.func @_dual_gather(%arg0: i32, %arg1: i32, %arg2: memref<1000000x32xf32, #tpu.memory_space<hbm>>, %arg3: memref<1000000x32xf32, #tpu.memory_space<hbm>>, %arg4: memref<16384xi32, #tpu.memory_space<hbm>>, %arg5: memref<16384xi32, #tpu.memory_space<hbm>>, %arg6: memref<16384x32xf32, #tpu.memory_space<hbm>>, %arg7: memref<16384x32xf32, #tpu.memory_space<hbm>>, %arg8: memref<512xi32, #tpu.memory_space<vmem>>, %arg9: memref<512xi32, #tpu.memory_space<vmem>>, %arg10: memref<256x32xf32, #tpu.memory_space<vmem>>, %arg11: memref<256x32xf32, #tpu.memory_space<vmem>>, %arg12: memref<!tpu.dma_semaphore, #tpu.memory_space<semaphore_mem>>, %arg13: memref<!tpu.dma_semaphore, #tpu.memory_space<semaphore_mem>>, %arg14: memref<!tpu.dma_semaphore, #tpu.memory_space<semaphore_mem>>, %arg15: memref<!tpu.dma_semaphore, #tpu.memory_space<semaphore_mem>>) attributes {dimension_semantics = [#tpu.dimension_semantics<core_parallel>, #tpu.dimension_semantics<subcore_parallel>], iteration_bounds = array<i64: 2, 16>, scalar_prefetch = 0 : i64, scratch_operands = 8 : i64, tpu.core_type = #tpu.core_type<sc_vector_subcore>, window_params = [{transform_indices = #map}, {transform_indices = #map}, {transform_indices = #map1}, {transform_indices = #map1}, {transform_indices = #map}, {transform_indices = #map}]} {
    %mul3A = arith.constant 2 : i32
    %mul3A_0 = arith.muli %arg1, %mul3A : i32
    %add3A = arith.addi %mul3A_0, %arg0 : i32
    %mul3A_1 = arith.constant 512 : i32
    %mul3A_2 = arith.muli %add3A, %mul3A_1 : i32
    "tpu.region"() ({
      %run_scoped3A = tpu.sem_alloc : memref<!tpu.dma_semaphore, #tpu.memory_space<semaphore_mem>>
      %dma_start3A = tpu.memref_slice %arg4[%mul3A_2] : memref<16384xi32, #tpu.memory_space<hbm>> -> memref<512xi32, #tpu.memory_space<hbm>>
      %dma_start3A_115 = tpu.memref_slice %arg4[%mul3A_2] : memref<16384xi32, #tpu.memory_space<hbm>> -> memref<512xi32, #tpu.memory_space<hbm>>
      tpu.enqueue_dma source(%dma_start3A_115 : memref<512xi32, #tpu.memory_space<hbm>>) target(%arg8 : memref<512xi32, #tpu.memory_space<vmem>>) target_semaphore(%run_scoped3A : memref<!tpu.dma_semaphore, #tpu.memory_space<semaphore_mem>>)
      %dma_wait3A_116 = tpu.memref_slice %arg4[%mul3A_2] : memref<16384xi32, #tpu.memory_space<hbm>> -> memref<512xi32, #tpu.memory_space<hbm>>
      %dma_wait3A_117 = tpu.memref_slice %arg4[%mul3A_2] : memref<16384xi32, #tpu.memory_space<hbm>> -> memref<512xi32, #tpu.memory_space<hbm>>
      tpu.wait_dma2 semaphore(%run_scoped3A : memref<!tpu.dma_semaphore, #tpu.memory_space<semaphore_mem>>) src(%dma_wait3A_117 : memref<512xi32, #tpu.memory_space<hbm>>) dst(%arg8 : memref<512xi32, #tpu.memory_space<vmem>>)
      tpu.yield
    }) : () -> ()
    "tpu.region"() ({
      %run_scoped3A = tpu.sem_alloc : memref<!tpu.dma_semaphore, #tpu.memory_space<semaphore_mem>>
      %dma_start3A = tpu.memref_slice %arg5[%mul3A_2] : memref<16384xi32, #tpu.memory_space<hbm>> -> memref<512xi32, #tpu.memory_space<hbm>>
      %dma_start3A_115 = tpu.memref_slice %arg5[%mul3A_2] : memref<16384xi32, #tpu.memory_space<hbm>> -> memref<512xi32, #tpu.memory_space<hbm>>
      tpu.enqueue_dma source(%dma_start3A_115 : memref<512xi32, #tpu.memory_space<hbm>>) target(%arg9 : memref<512xi32, #tpu.memory_space<vmem>>) target_semaphore(%run_scoped3A : memref<!tpu.dma_semaphore, #tpu.memory_space<semaphore_mem>>)
      %dma_wait3A_116 = tpu.memref_slice %arg5[%mul3A_2] : memref<16384xi32, #tpu.memory_space<hbm>> -> memref<512xi32, #tpu.memory_space<hbm>>
      %dma_wait3A_117 = tpu.memref_slice %arg5[%mul3A_2] : memref<16384xi32, #tpu.memory_space<hbm>> -> memref<512xi32, #tpu.memory_space<hbm>>
      tpu.wait_dma2 semaphore(%run_scoped3A : memref<!tpu.dma_semaphore, #tpu.memory_space<semaphore_mem>>) src(%dma_wait3A_117 : memref<512xi32, #tpu.memory_space<hbm>>) dst(%arg9 : memref<512xi32, #tpu.memory_space<vmem>>)
      tpu.yield
    }) : () -> ()
    %scan3A = arith.constant 0 : i32
    %scan3A_3 = arith.constant 16 : i32
    %scan3A_4 = arith.addi %scan3A, %scan3A_3 : i32
    %scan3A_5 = arith.constant 1 : i32
    scf.for %scan3A_115 = %scan3A to %scan3A_4 step %scan3A_5  : i32 {
      %mul3A_116 = arith.constant 16 : i32
      %mul3A_117 = arith.muli %scan3A_115, %mul3A_116 : i32
      %add3A_118 = arith.constant 0 : i32
      %add3A_119 = arith.addi %add3A_118, %mul3A_117 : i32
      %add3A_120 = arith.constant 0 : i32
      %add3A_121 = arith.addi %add3A_120, %add3A_119 : i32
      %get3A = arith.index_cast %add3A_121 : i32 to index
      %get3A_122 = tpu.vector_load %arg8[%get3A] {strides = array<i32>} : memref<512xi32, #tpu.memory_space<vmem>>, vector<16xi32>,
      %get3A_123 = vector.shape_cast %get3A_122 : vector<16xi32> to vector<16xi32>
      %add3A_124 = arith.constant 0 : i32
      %add3A_125 = arith.addi %add3A_124, %add3A_119 : i32
      %get3A_126 = arith.index_cast %add3A_125 : i32 to index
      %get3A_127 = tpu.vector_load %arg9[%get3A_126] {strides = array<i32>} : memref<512xi32, #tpu.memory_space<vmem>>, vector<16xi32>,
      %get3A_128 = vector.shape_cast %get3A_127 : vector<16xi32> to vector<16xi32>
      %slice3A = vector.extract_strided_slice %get3A_123 {offsets = [0], sizes = [1], strides = [1]} : vector<16xi32> to vector<1xi32>
      %squeeze3A = vector.extract %slice3A[0] : i32 from vector<1xi32>
      %add3A_129 = arith.constant 0 : i32
      %add3A_130 = arith.addi %add3A_119, %add3A_129 : i32
      %dma_start3A = arith.constant 0 : i32
      %dma_start3A_131 = tpu.memref_slice %arg10[%add3A_130, %dma_start3A] : memref<256x32xf32, #tpu.memory_space<vmem>> -> memref<1x32xf32, #tpu.memory_space<vmem>>
      %dma_start3A_132 = arith.constant 0 : i32
      %dma_start3A_133 = tpu.memref_slice %arg2[%squeeze3A, %dma_start3A_132] : memref<1000000x32xf32, #tpu.memory_space<hbm>> -> memref<1x32xf32, #tpu.memory_space<hbm>>
      %dma_start3A_134 = arith.constant 0 : i32
      %dma_start3A_135 = tpu.memref_slice %arg10[%add3A_130, %dma_start3A_134] : memref<256x32xf32, #tpu.memory_space<vmem>> -> memref<1x32xf32, #tpu.memory_space<vmem>>
      %dma_start3A_136 = arith.constant 0 : i32
      %dma_start3A_137 = tpu.memref_slice %arg2[%squeeze3A, %dma_start3A_136] : memref<1000000x32xf32, #tpu.memory_space<hbm>> -> memref<1x32xf32, #tpu.memory_space<hbm>>
      tpu.enqueue_dma source(%dma_start3A_137 : memref<1x32xf32, #tpu.memory_space<hbm>>) target(%dma_start3A_135 : memref<1x32xf32, #tpu.memory_space<vmem>>) target_semaphore(%arg12 : memref<!tpu.dma_semaphore, #tpu.memory_space<semaphore_mem>>)
      %slice3A_138 = vector.extract_strided_slice %get3A_128 {offsets = [0], sizes = [1], strides = [1]} : vector<16xi32> to vector<1xi32>
      %squeeze3A_139 = vector.extract %slice3A_138[0] : i32 from vector<1xi32>
      %add3A_140 = arith.constant 0 : i32
      %add3A_141 = arith.addi %add3A_119, %add3A_140 : i32
      %dma_start3A_142 = arith.constant 0 : i32
      %dma_start3A_143 = tpu.memref_slice %arg11[%add3A_141, %dma_start3A_142] : memref<256x32xf32, #tpu.memory_space<vmem>> -> memref<1x32xf32, #tpu.memory_space<vmem>>
      %dma_start3A_144 = arith.constant 0 : i32
      %dma_start3A_145 = tpu.memref_slice %arg3[%squeeze3A_139, %dma_start3A_144] : memref<1000000x32xf32, #tpu.memory_space<hbm>> -> memref<1x32xf32, #tpu.memory_space<hbm>>
      %dma_start3A_146 = arith.constant 0 : i32
      %dma_start3A_147 = tpu.memref_slice %arg11[%add3A_141, %dma_start3A_146] : memref<256x32xf32, #tpu.memory_space<vmem>> -> memref<1x32xf32, #tpu.memory_space<vmem>>
      %dma_start3A_148 = arith.constant 0 : i32
      %dma_start3A_149 = tpu.memref_slice %arg3[%squeeze3A_139, %dma_start3A_148] : memref<1000000x32xf32, #tpu.memory_space<hbm>> -> memref<1x32xf32, #tpu.memory_space<hbm>>
      tpu.enqueue_dma source(%dma_start3A_149 : memref<1x32xf32, #tpu.memory_space<hbm>>) target(%dma_start3A_147 : memref<1x32xf32, #tpu.memory_space<vmem>>) target_semaphore(%arg14 : memref<!tpu.dma_semaphore, #tpu.memory_space<semaphore_mem>>)
      %slice3A_150 = vector.extract_strided_slice %get3A_123 {offsets = [1], sizes = [1], strides = [1]} : vector<16xi32> to vector<1xi32>
      %squeeze3A_151 = vector.extract %slice3A_150[0] : i32 from vector<1xi32>
      %add3A_152 = arith.constant 1 : i32
      %add3A_153 = arith.addi %add3A_119, %add3A_152 : i32
      %dma_start3A_154 = arith.constant 0 : i32
      %dma_start3A_155 = tpu.memref_slice %arg10[%add3A_153, %dma_start3A_154] : memref<256x32xf32, #tpu.memory_space<vmem>> -> memref<1x32xf32, #tpu.memory_space<vmem>>
      %dma_start3A_156 = arith.constant 0 : i32
      %dma_start3A_157 = tpu.memref_slice %arg2[%squeeze3A_151, %dma_start3A_156] : memref<1000000x32xf32, #tpu.memory_space<hbm>> -> memref<1x32xf32, #tpu.memory_space<hbm>>
      %dma_start3A_158 = arith.constant 0 : i32
      %dma_start3A_159 = tpu.memref_slice %arg10[%add3A_153, %dma_start3A_158] : memref<256x32xf32, #tpu.memory_space<vmem>> -> memref<1x32xf32, #tpu.memory_space<vmem>>
      %dma_start3A_160 = arith.constant 0 : i32
      %dma_start3A_161 = tpu.memref_slice %arg2[%squeeze3A_151, %dma_start3A_160] : memref<1000000x32xf32, #tpu.memory_space<hbm>> -> memref<1x32xf32, #tpu.memory_space<hbm>>
      tpu.enqueue_dma source(%dma_start3A_161 : memref<1x32xf32, #tpu.memory_space<hbm>>) target(%dma_start3A_159 : memref<1x32xf32, #tpu.memory_space<vmem>>) target_semaphore(%arg13 : memref<!tpu.dma_semaphore, #tpu.memory_space<semaphore_mem>>)
      %slice3A_162 = vector.extract_strided_slice %get3A_128 {offsets = [1], sizes = [1], strides = [1]} : vector<16xi32> to vector<1xi32>
      %squeeze3A_163 = vector.extract %slice3A_162[0] : i32 from vector<1xi32>
      %add3A_164 = arith.constant 1 : i32
      %add3A_165 = arith.addi %add3A_119, %add3A_164 : i32
      %dma_start3A_166 = arith.constant 0 : i32
      %dma_start3A_167 = tpu.memref_slice %arg11[%add3A_165, %dma_start3A_166] : memref<256x32xf32, #tpu.memory_space<vmem>> -> memref<1x32xf32, #tpu.memory_space<vmem>>
      %dma_start3A_168 = arith.constant 0 : i32
      %dma_start3A_169 = tpu.memref_slice %arg3[%squeeze3A_163, %dma_start3A_168] : memref<1000000x32xf32, #tpu.memory_space<hbm>> -> memref<1x32xf32, #tpu.memory_space<hbm>>
      %dma_start3A_170 = arith.constant 0 : i32
      %dma_start3A_171 = tpu.memref_slice %arg11[%add3A_165, %dma_start3A_170] : memref<256x32xf32, #tpu.memory_space<vmem>> -> memref<1x32xf32, #tpu.memory_space<vmem>>
      %dma_start3A_172 = arith.constant 0 : i32
      %dma_start3A_173 = tpu.memref_slice %arg3[%squeeze3A_163, %dma_start3A_172] : memref<1000000x32xf32, #tpu.memory_space<hbm>> -> memref<1x32xf32, #tpu.memory_space<hbm>>
      tpu.enqueue_dma source(%dma_start3A_173 : memref<1x32xf32, #tpu.memory_space<hbm>>) target(%dma_start3A_171 : memref<1x32xf32, #tpu.memory_space<vmem>>) target_semaphore(%arg15 : memref<!tpu.dma_semaphore, #tpu.memory_space<semaphore_mem>>)
      %slice3A_174 = vector.extract_strided_slice %get3A_123 {offsets = [2], sizes = [1], strides = [1]} : vector<16xi32> to vector<1xi32>
      %squeeze3A_175 = vector.extract %slice3A_174[0] : i32 from vector<1xi32>
      %add3A_176 = arith.constant 2 : i32
      %add3A_177 = arith.addi %add3A_119, %add3A_176 : i32
      %dma_start3A_178 = arith.constant 0 : i32
      %dma_start3A_179 = tpu.memref_slice %arg10[%add3A_177, %dma_start3A_178] : memref<256x32xf32, #tpu.memory_space<vmem>> -> memref<1x32xf32, #tpu.memory_space<vmem>>
      %dma_start3A_180 = arith.constant 0 : i32
      %dma_start3A_181 = tpu.memref_slice %arg2[%squeeze3A_175, %dma_start3A_180] : memref<1000000x32xf32, #tpu.memory_space<hbm>> -> memref<1x32xf32, #tpu.memory_space<hbm>>
      %dma_start3A_182 = arith.constant 0 : i32
      %dma_start3A_183 = tpu.memref_slice %arg10[%add3A_177, %dma_start3A_182] : memref<256x32xf32, #tpu.memory_space<vmem>> -> memref<1x32xf32, #tpu.memory_space<vmem>>
      %dma_start3A_184 = arith.constant 0 : i32
      %dma_start3A_185 = tpu.memref_slice %arg2[%squeeze3A_175, %dma_start3A_184] : memref<1000000x32xf32, #tpu.memory_space<hbm>> -> memref<1x32xf32, #tpu.memory_space<hbm>>
      tpu.enqueue_dma source(%dma_start3A_185 : memref<1x32xf32, #tpu.memory_space<hbm>>) target(%dma_start3A_183 : memref<1x32xf32, #tpu.memory_space<vmem>>) target_semaphore(%arg12 : memref<!tpu.dma_semaphore, #tpu.memory_space<semaphore_mem>>)
      %slice3A_186 = vector.extract_strided_slice %get3A_128 {offsets = [2], sizes = [1], strides = [1]} : vector<16xi32> to vector<1xi32>
      %squeeze3A_187 = vector.extract %slice3A_186[0] : i32 from vector<1xi32>
      %add3A_188 = arith.constant 2 : i32
      %add3A_189 = arith.addi %add3A_119, %add3A_188 : i32
      %dma_start3A_190 = arith.constant 0 : i32
      %dma_start3A_191 = tpu.memref_slice %arg11[%add3A_189, %dma_start3A_190] : memref<256x32xf32, #tpu.memory_space<vmem>> -> memref<1x32xf32, #tpu.memory_space<vmem>>
      %dma_start3A_192 = arith.constant 0 : i32
      %dma_start3A_193 = tpu.memref_slice %arg3[%squeeze3A_187, %dma_start3A_192] : memref<1000000x32xf32, #tpu.memory_space<hbm>> -> memref<1x32xf32, #tpu.memory_space<hbm>>
      %dma_start3A_194 = arith.constant 0 : i32
      %dma_start3A_195 = tpu.memref_slice %arg11[%add3A_189, %dma_start3A_194] : memref<256x32xf32, #tpu.memory_space<vmem>> -> memref<1x32xf32, #tpu.memory_space<vmem>>
      %dma_start3A_196 = arith.constant 0 : i32
      %dma_start3A_197 = tpu.memref_slice %arg3[%squeeze3A_187, %dma_start3A_196] : memref<1000000x32xf32, #tpu.memory_space<hbm>> -> memref<1x32xf32, #tpu.memory_space<hbm>>
      tpu.enqueue_dma source(%dma_start3A_197 : memref<1x32xf32, #tpu.memory_space<hbm>>) target(%dma_start3A_195 : memref<1x32xf32, #tpu.memory_space<vmem>>) target_semaphore(%arg14 : memref<!tpu.dma_semaphore, #tpu.memory_space<semaphore_mem>>)
      %slice3A_198 = vector.extract_strided_slice %get3A_123 {offsets = [3], sizes = [1], strides = [1]} : vector<16xi32> to vector<1xi32>
      %squeeze3A_199 = vector.extract %slice3A_198[0] : i32 from vector<1xi32>
      %add3A_200 = arith.constant 3 : i32
      %add3A_201 = arith.addi %add3A_119, %add3A_200 : i32
      %dma_start3A_202 = arith.constant 0 : i32
      %dma_start3A_203 = tpu.memref_slice %arg10[%add3A_201, %dma_start3A_202] : memref<256x32xf32, #tpu.memory_space<vmem>> -> memref<1x32xf32, #tpu.memory_space<vmem>>
      %dma_start3A_204 = arith.constant 0 : i32
      %dma_start3A_205 = tpu.memref_slice %arg2[%squeeze3A_199, %dma_start3A_204] : memref<1000000x32xf32, #tpu.memory_space<hbm>> -> memref<1x32xf32, #tpu.memory_space<hbm>>
      %dma_start3A_206 = arith.constant 0 : i32
      %dma_start3A_207 = tpu.memref_slice %arg10[%add3A_201, %dma_start3A_206] : memref<256x32xf32, #tpu.memory_space<vmem>> -> memref<1x32xf32, #tpu.memory_space<vmem>>
      %dma_start3A_208 = arith.constant 0 : i32
      %dma_start3A_209 = tpu.memref_slice %arg2[%squeeze3A_199, %dma_start3A_208] : memref<1000000x32xf32, #tpu.memory_space<hbm>> -> memref<1x32xf32, #tpu.memory_space<hbm>>
      tpu.enqueue_dma source(%dma_start3A_209 : memref<1x32xf32, #tpu.memory_space<hbm>>) target(%dma_start3A_207 : memref<1x32xf32, #tpu.memory_space<vmem>>) target_semaphore(%arg13 : memref<!tpu.dma_semaphore, #tpu.memory_space<semaphore_mem>>)
      %slice3A_210 = vector.extract_strided_slice %get3A_128 {offsets = [3], sizes = [1], strides = [1]} : vector<16xi32> to vector<1xi32>
      %squeeze3A_211 = vector.extract %slice3A_210[0] : i32 from vector<1xi32>
      %add3A_212 = arith.constant 3 : i32
      %add3A_213 = arith.addi %add3A_119, %add3A_212 : i32
      %dma_start3A_214 = arith.constant 0 : i32
      %dma_start3A_215 = tpu.memref_slice %arg11[%add3A_213, %dma_start3A_214] : memref<256x32xf32, #tpu.memory_space<vmem>> -> memref<1x32xf32, #tpu.memory_space<vmem>>
      %dma_start3A_216 = arith.constant 0 : i32
      %dma_start3A_217 = tpu.memref_slice %arg3[%squeeze3A_211, %dma_start3A_216] : memref<1000000x32xf32, #tpu.memory_space<hbm>> -> memref<1x32xf32, #tpu.memory_space<hbm>>
      %dma_start3A_218 = arith.constant 0 : i32
      %dma_start3A_219 = tpu.memref_slice %arg11[%add3A_213, %dma_start3A_218] : memref<256x32xf32, #tpu.memory_space<vmem>> -> memref<1x32xf32, #tpu.memory_space<vmem>>
      %dma_start3A_220 = arith.constant 0 : i32
      %dma_start3A_221 = tpu.memref_slice %arg3[%squeeze3A_211, %dma_start3A_220] : memref<1000000x32xf32, #tpu.memory_space<hbm>> -> memref<1x32xf32, #tpu.memory_space<hbm>>
      tpu.enqueue_dma source(%dma_start3A_221 : memref<1x32xf32, #tpu.memory_space<hbm>>) target(%dma_start3A_219 : memref<1x32xf32, #tpu.memory_space<vmem>>) target_semaphore(%arg15 : memref<!tpu.dma_semaphore, #tpu.memory_space<semaphore_mem>>)
      %slice3A_222 = vector.extract_strided_slice %get3A_123 {offsets = [4], sizes = [1], strides = [1]} : vector<16xi32> to vector<1xi32>
      %squeeze3A_223 = vector.extract %slice3A_222[0] : i32 from vector<1xi32>
      %add3A_224 = arith.constant 4 : i32
      %add3A_225 = arith.addi %add3A_119, %add3A_224 : i32
      %dma_start3A_226 = arith.constant 0 : i32
      %dma_start3A_227 = tpu.memref_slice %arg10[%add3A_225, %dma_start3A_226] : memref<256x32xf32, #tpu.memory_space<vmem>> -> memref<1x32xf32, #tpu.memory_space<vmem>>
      %dma_start3A_228 = arith.constant 0 : i32
      %dma_start3A_229 = tpu.memref_slice %arg2[%squeeze3A_223, %dma_start3A_228] : memref<1000000x32xf32, #tpu.memory_space<hbm>> -> memref<1x32xf32, #tpu.memory_space<hbm>>
      %dma_start3A_230 = arith.constant 0 : i32
      %dma_start3A_231 = tpu.memref_slice %arg10[%add3A_225, %dma_start3A_230] : memref<256x32xf32, #tpu.memory_space<vmem>> -> memref<1x32xf32, #tpu.memory_space<vmem>>
      %dma_start3A_232 = arith.constant 0 : i32
      %dma_start3A_233 = tpu.memref_slice %arg2[%squeeze3A_223, %dma_start3A_232] : memref<1000000x32xf32, #tpu.memory_space<hbm>> -> memref<1x32xf32, #tpu.memory_space<hbm>>
      tpu.enqueue_dma source(%dma_start3A_233 : memref<1x32xf32, #tpu.memory_space<hbm>>) target(%dma_start3A_231 : memref<1x32xf32, #tpu.memory_space<vmem>>) target_semaphore(%arg12 : memref<!tpu.dma_semaphore, #tpu.memory_space<semaphore_mem>>)
      %slice3A_234 = vector.extract_strided_slice %get3A_128 {offsets = [4], sizes = [1], strides = [1]} : vector<16xi32> to vector<1xi32>
      %squeeze3A_235 = vector.extract %slice3A_234[0] : i32 from vector<1xi32>
      %add3A_236 = arith.constant 4 : i32
      %add3A_237 = arith.addi %add3A_119, %add3A_236 : i32
      %dma_start3A_238 = arith.constant 0 : i32
      %dma_start3A_239 = tpu.memref_slice %arg11[%add3A_237, %dma_start3A_238] : memref<256x32xf32, #tpu.memory_space<vmem>> -> memref<1x32xf32, #tpu.memory_space<vmem>>
      %dma_start3A_240 = arith.constant 0 : i32
      %dma_start3A_241 = tpu.memref_slice %arg3[%squeeze3A_235, %dma_start3A_240] : memref<1000000x32xf32, #tpu.memory_space<hbm>> -> memref<1x32xf32, #tpu.memory_space<hbm>>
      %dma_start3A_242 = arith.constant 0 : i32
      %dma_start3A_243 = tpu.memref_slice %arg11[%add3A_237, %dma_start3A_242] : memref<256x32xf32, #tpu.memory_space<vmem>> -> memref<1x32xf32, #tpu.memory_space<vmem>>
      %dma_start3A_244 = arith.constant 0 : i32
      %dma_start3A_245 = tpu.memref_slice %arg3[%squeeze3A_235, %dma_start3A_244] : memref<1000000x32xf32, #tpu.memory_space<hbm>> -> memref<1x32xf32, #tpu.memory_space<hbm>>
      tpu.enqueue_dma source(%dma_start3A_245 : memref<1x32xf32, #tpu.memory_space<hbm>>) target(%dma_start3A_243 : memref<1x32xf32, #tpu.memory_space<vmem>>) target_semaphore(%arg14 : memref<!tpu.dma_semaphore, #tpu.memory_space<semaphore_mem>>)
      %slice3A_246 = vector.extract_strided_slice %get3A_123 {offsets = [5], sizes = [1], strides = [1]} : vector<16xi32> to vector<1xi32>
      %squeeze3A_247 = vector.extract %slice3A_246[0] : i32 from vector<1xi32>
      %add3A_248 = arith.constant 5 : i32
      %add3A_249 = arith.addi %add3A_119, %add3A_248 : i32
      %dma_start3A_250 = arith.constant 0 : i32
      %dma_start3A_251 = tpu.memref_slice %arg10[%add3A_249, %dma_start3A_250] : memref<256x32xf32, #tpu.memory_space<vmem>> -> memref<1x32xf32, #tpu.memory_space<vmem>>
      %dma_start3A_252 = arith.constant 0 : i32
      %dma_start3A_253 = tpu.memref_slice %arg2[%squeeze3A_247, %dma_start3A_252] : memref<1000000x32xf32, #tpu.memory_space<hbm>> -> memref<1x32xf32, #tpu.memory_space<hbm>>
      %dma_start3A_254 = arith.constant 0 : i32
      %dma_start3A_255 = tpu.memref_slice %arg10[%add3A_249, %dma_start3A_254] : memref<256x32xf32, #tpu.memory_space<vmem>> -> memref<1x32xf32, #tpu.memory_space<vmem>>
      %dma_start3A_256 = arith.constant 0 : i32
      %dma_start3A_257 = tpu.memref_slice %arg2[%squeeze3A_247, %dma_start3A_256] : memref<1000000x32xf32, #tpu.memory_space<hbm>> -> memref<1x32xf32, #tpu.memory_space<hbm>>
      tpu.enqueue_dma source(%dma_start3A_257 : memref<1x32xf32, #tpu.memory_space<hbm>>) target(%dma_start3A_255 : memref<1x32xf32, #tpu.memory_space<vmem>>) target_semaphore(%arg13 : memref<!tpu.dma_semaphore, #tpu.memory_space<semaphore_mem>>)
      %slice3A_258 = vector.extract_strided_slice %get3A_128 {offsets = [5], sizes = [1], strides = [1]} : vector<16xi32> to vector<1xi32>
      %squeeze3A_259 = vector.extract %slice3A_258[0] : i32 from vector<1xi32>
      %add3A_260 = arith.constant 5 : i32
      %add3A_261 = arith.addi %add3A_119, %add3A_260 : i32
      %dma_start3A_262 = arith.constant 0 : i32
      %dma_start3A_263 = tpu.memref_slice %arg11[%add3A_261, %dma_start3A_262] : memref<256x32xf32, #tpu.memory_space<vmem>> -> memref<1x32xf32, #tpu.memory_space<vmem>>
      %dma_start3A_264 = arith.constant 0 : i32
      %dma_start3A_265 = tpu.memref_slice %arg3[%squeeze3A_259, %dma_start3A_264] : memref<1000000x32xf32, #tpu.memory_space<hbm>> -> memref<1x32xf32, #tpu.memory_space<hbm>>
      %dma_start3A_266 = arith.constant 0 : i32
      %dma_start3A_267 = tpu.memref_slice %arg11[%add3A_261, %dma_start3A_266] : memref<256x32xf32, #tpu.memory_space<vmem>> -> memref<1x32xf32, #tpu.memory_space<vmem>>
      %dma_start3A_268 = arith.constant 0 : i32
      %dma_start3A_269 = tpu.memref_slice %arg3[%squeeze3A_259, %dma_start3A_268] : memref<1000000x32xf32, #tpu.memory_space<hbm>> -> memref<1x32xf32, #tpu.memory_space<hbm>>
      tpu.enqueue_dma source(%dma_start3A_269 : memref<1x32xf32, #tpu.memory_space<hbm>>) target(%dma_start3A_267 : memref<1x32xf32, #tpu.memory_space<vmem>>) target_semaphore(%arg15 : memref<!tpu.dma_semaphore, #tpu.memory_space<semaphore_mem>>)
      %slice3A_270 = vector.extract_strided_slice %get3A_123 {offsets = [6], sizes = [1], strides = [1]} : vector<16xi32> to vector<1xi32>
      %squeeze3A_271 = vector.extract %slice3A_270[0] : i32 from vector<1xi32>
      %add3A_272 = arith.constant 6 : i32
      %add3A_273 = arith.addi %add3A_119, %add3A_272 : i32
      %dma_start3A_274 = arith.constant 0 : i32
      %dma_start3A_275 = tpu.memref_slice %arg10[%add3A_273, %dma_start3A_274] : memref<256x32xf32, #tpu.memory_space<vmem>> -> memref<1x32xf32, #tpu.memory_space<vmem>>
      %dma_start3A_276 = arith.constant 0 : i32
      %dma_start3A_277 = tpu.memref_slice %arg2[%squeeze3A_271, %dma_start3A_276] : memref<1000000x32xf32, #tpu.memory_space<hbm>> -> memref<1x32xf32, #tpu.memory_space<hbm>>
      %dma_start3A_278 = arith.constant 0 : i32
      %dma_start3A_279 = tpu.memref_slice %arg10[%add3A_273, %dma_start3A_278] : memref<256x32xf32, #tpu.memory_space<vmem>> -> memref<1x32xf32, #tpu.memory_space<vmem>>
      %dma_start3A_280 = arith.constant 0 : i32
      %dma_start3A_281 = tpu.memref_slice %arg2[%squeeze3A_271, %dma_start3A_280] : memref<1000000x32xf32, #tpu.memory_space<hbm>> -> memref<1x32xf32, #tpu.memory_space<hbm>>
      tpu.enqueue_dma source(%dma_start3A_281 : memref<1x32xf32, #tpu.memory_space<hbm>>) target(%dma_start3A_279 : memref<1x32xf32, #tpu.memory_space<vmem>>) target_semaphore(%arg12 : memref<!tpu.dma_semaphore, #tpu.memory_space<semaphore_mem>>)
      %slice3A_282 = vector.extract_strided_slice %get3A_128 {offsets = [6], sizes = [1], strides = [1]} : vector<16xi32> to vector<1xi32>
      %squeeze3A_283 = vector.extract %slice3A_282[0] : i32 from vector<1xi32>
      %add3A_284 = arith.constant 6 : i32
      %add3A_285 = arith.addi %add3A_119, %add3A_284 : i32
      %dma_start3A_286 = arith.constant 0 : i32
      %dma_start3A_287 = tpu.memref_slice %arg11[%add3A_285, %dma_start3A_286] : memref<256x32xf32, #tpu.memory_space<vmem>> -> memref<1x32xf32, #tpu.memory_space<vmem>>
      %dma_start3A_288 = arith.constant 0 : i32
      %dma_start3A_289 = tpu.memref_slice %arg3[%squeeze3A_283, %dma_start3A_288] : memref<1000000x32xf32, #tpu.memory_space<hbm>> -> memref<1x32xf32, #tpu.memory_space<hbm>>
      %dma_start3A_290 = arith.constant 0 : i32
      %dma_start3A_291 = tpu.memref_slice %arg11[%add3A_285, %dma_start3A_290] : memref<256x32xf32, #tpu.memory_space<vmem>> -> memref<1x32xf32, #tpu.memory_space<vmem>>
      %dma_start3A_292 = arith.constant 0 : i32
      %dma_start3A_293 = tpu.memref_slice %arg3[%squeeze3A_283, %dma_start3A_292] : memref<1000000x32xf32, #tpu.memory_space<hbm>> -> memref<1x32xf32, #tpu.memory_space<hbm>>
      tpu.enqueue_dma source(%dma_start3A_293 : memref<1x32xf32, #tpu.memory_space<hbm>>) target(%dma_start3A_291 : memref<1x32xf32, #tpu.memory_space<vmem>>) target_semaphore(%arg14 : memref<!tpu.dma_semaphore, #tpu.memory_space<semaphore_mem>>)
      %slice3A_294 = vector.extract_strided_slice %get3A_123 {offsets = [7], sizes = [1], strides = [1]} : vector<16xi32> to vector<1xi32>
      %squeeze3A_295 = vector.extract %slice3A_294[0] : i32 from vector<1xi32>
      %add3A_296 = arith.constant 7 : i32
      %add3A_297 = arith.addi %add3A_119, %add3A_296 : i32
      %dma_start3A_298 = arith.constant 0 : i32
      %dma_start3A_299 = tpu.memref_slice %arg10[%add3A_297, %dma_start3A_298] : memref<256x32xf32, #tpu.memory_space<vmem>> -> memref<1x32xf32, #tpu.memory_space<vmem>>
      %dma_start3A_300 = arith.constant 0 : i32
      %dma_start3A_301 = tpu.memref_slice %arg2[%squeeze3A_295, %dma_start3A_300] : memref<1000000x32xf32, #tpu.memory_space<hbm>> -> memref<1x32xf32, #tpu.memory_space<hbm>>
      %dma_start3A_302 = arith.constant 0 : i32
      %dma_start3A_303 = tpu.memref_slice %arg10[%add3A_297, %dma_start3A_302] : memref<256x32xf32, #tpu.memory_space<vmem>> -> memref<1x32xf32, #tpu.memory_space<vmem>>
      %dma_start3A_304 = arith.constant 0 : i32
      %dma_start3A_305 = tpu.memref_slice %arg2[%squeeze3A_295, %dma_start3A_304] : memref<1000000x32xf32, #tpu.memory_space<hbm>> -> memref<1x32xf32, #tpu.memory_space<hbm>>
      tpu.enqueue_dma source(%dma_start3A_305 : memref<1x32xf32, #tpu.memory_space<hbm>>) target(%dma_start3A_303 : memref<1x32xf32, #tpu.memory_space<vmem>>) target_semaphore(%arg13 : memref<!tpu.dma_semaphore, #tpu.memory_space<semaphore_mem>>)
      %slice3A_306 = vector.extract_strided_slice %get3A_128 {offsets = [7], sizes = [1], strides = [1]} : vector<16xi32> to vector<1xi32>
      %squeeze3A_307 = vector.extract %slice3A_306[0] : i32 from vector<1xi32>
      %add3A_308 = arith.constant 7 : i32
      %add3A_309 = arith.addi %add3A_119, %add3A_308 : i32
      %dma_start3A_310 = arith.constant 0 : i32
      %dma_start3A_311 = tpu.memref_slice %arg11[%add3A_309, %dma_start3A_310] : memref<256x32xf32, #tpu.memory_space<vmem>> -> memref<1x32xf32, #tpu.memory_space<vmem>>
      %dma_start3A_312 = arith.constant 0 : i32
      %dma_start3A_313 = tpu.memref_slice %arg3[%squeeze3A_307, %dma_start3A_312] : memref<1000000x32xf32, #tpu.memory_space<hbm>> -> memref<1x32xf32, #tpu.memory_space<hbm>>
      %dma_start3A_314 = arith.constant 0 : i32
      %dma_start3A_315 = tpu.memref_slice %arg11[%add3A_309, %dma_start3A_314] : memref<256x32xf32, #tpu.memory_space<vmem>> -> memref<1x32xf32, #tpu.memory_space<vmem>>
      %dma_start3A_316 = arith.constant 0 : i32
      %dma_start3A_317 = tpu.memref_slice %arg3[%squeeze3A_307, %dma_start3A_316] : memref<1000000x32xf32, #tpu.memory_space<hbm>> -> memref<1x32xf32, #tpu.memory_space<hbm>>
      tpu.enqueue_dma source(%dma_start3A_317 : memref<1x32xf32, #tpu.memory_space<hbm>>) target(%dma_start3A_315 : memref<1x32xf32, #tpu.memory_space<vmem>>) target_semaphore(%arg15 : memref<!tpu.dma_semaphore, #tpu.memory_space<semaphore_mem>>)
      %slice3A_318 = vector.extract_strided_slice %get3A_123 {offsets = [8], sizes = [1], strides = [1]} : vector<16xi32> to vector<1xi32>
      %squeeze3A_319 = vector.extract %slice3A_318[0] : i32 from vector<1xi32>
      %add3A_320 = arith.constant 8 : i32
      %add3A_321 = arith.addi %add3A_119, %add3A_320 : i32
      %dma_start3A_322 = arith.constant 0 : i32
      %dma_start3A_323 = tpu.memref_slice %arg10[%add3A_321, %dma_start3A_322] : memref<256x32xf32, #tpu.memory_space<vmem>> -> memref<1x32xf32, #tpu.memory_space<vmem>>
      %dma_start3A_324 = arith.constant 0 : i32
      %dma_start3A_325 = tpu.memref_slice %arg2[%squeeze3A_319, %dma_start3A_324] : memref<1000000x32xf32, #tpu.memory_space<hbm>> -> memref<1x32xf32, #tpu.memory_space<hbm>>
      %dma_start3A_326 = arith.constant 0 : i32
      %dma_start3A_327 = tpu.memref_slice %arg10[%add3A_321, %dma_start3A_326] : memref<256x32xf32, #tpu.memory_space<vmem>> -> memref<1x32xf32, #tpu.memory_space<vmem>>
      %dma_start3A_328 = arith.constant 0 : i32
      %dma_start3A_329 = tpu.memref_slice %arg2[%squeeze3A_319, %dma_start3A_328] : memref<1000000x32xf32, #tpu.memory_space<hbm>> -> memref<1x32xf32, #tpu.memory_space<hbm>>
      tpu.enqueue_dma source(%dma_start3A_329 : memref<1x32xf32, #tpu.memory_space<hbm>>) target(%dma_start3A_327 : memref<1x32xf32, #tpu.memory_space<vmem>>) target_semaphore(%arg12 : memref<!tpu.dma_semaphore, #tpu.memory_space<semaphore_mem>>)
      %slice3A_330 = vector.extract_strided_slice %get3A_128 {offsets = [8], sizes = [1], strides = [1]} : vector<16xi32> to vector<1xi32>
      %squeeze3A_331 = vector.extract %slice3A_330[0] : i32 from vector<1xi32>
      %add3A_332 = arith.constant 8 : i32
      %add3A_333 = arith.addi %add3A_119, %add3A_332 : i32
      %dma_start3A_334 = arith.constant 0 : i32
      %dma_start3A_335 = tpu.memref_slice %arg11[%add3A_333, %dma_start3A_334] : memref<256x32xf32, #tpu.memory_space<vmem>> -> memref<1x32xf32, #tpu.memory_space<vmem>>
      %dma_start3A_336 = arith.constant 0 : i32
      %dma_start3A_337 = tpu.memref_slice %arg3[%squeeze3A_331, %dma_start3A_336] : memref<1000000x32xf32, #tpu.memory_space<hbm>> -> memref<1x32xf32, #tpu.memory_space<hbm>>
      %dma_start3A_338 = arith.constant 0 : i32
      %dma_start3A_339 = tpu.memref_slice %arg11[%add3A_333, %dma_start3A_338] : memref<256x32xf32, #tpu.memory_space<vmem>> -> memref<1x32xf32, #tpu.memory_space<vmem>>
      %dma_start3A_340 = arith.constant 0 : i32
      %dma_start3A_341 = tpu.memref_slice %arg3[%squeeze3A_331, %dma_start3A_340] : memref<1000000x32xf32, #tpu.memory_space<hbm>> -> memref<1x32xf32, #tpu.memory_space<hbm>>
      tpu.enqueue_dma source(%dma_start3A_341 : memref<1x32xf32, #tpu.memory_space<hbm>>) target(%dma_start3A_339 : memref<1x32xf32, #tpu.memory_space<vmem>>) target_semaphore(%arg14 : memref<!tpu.dma_semaphore, #tpu.memory_space<semaphore_mem>>)
      %slice3A_342 = vector.extract_strided_slice %get3A_123 {offsets = [9], sizes = [1], strides = [1]} : vector<16xi32> to vector<1xi32>
      %squeeze3A_343 = vector.extract %slice3A_342[0] : i32 from vector<1xi32>
      %add3A_344 = arith.constant 9 : i32
      %add3A_345 = arith.addi %add3A_119, %add3A_344 : i32
      %dma_start3A_346 = arith.constant 0 : i32
      %dma_start3A_347 = tpu.memref_slice %arg10[%add3A_345, %dma_start3A_346] : memref<256x32xf32, #tpu.memory_space<vmem>> -> memref<1x32xf32, #tpu.memory_space<vmem>>
      %dma_start3A_348 = arith.constant 0 : i32
      %dma_start3A_349 = tpu.memref_slice %arg2[%squeeze3A_343, %dma_start3A_348] : memref<1000000x32xf32, #tpu.memory_space<hbm>> -> memref<1x32xf32, #tpu.memory_space<hbm>>
      %dma_start3A_350 = arith.constant 0 : i32
      %dma_start3A_351 = tpu.memref_slice %arg10[%add3A_345, %dma_start3A_350] : memref<256x32xf32, #tpu.memory_space<vmem>> -> memref<1x32xf32, #tpu.memory_space<vmem>>
      %dma_start3A_352 = arith.constant 0 : i32
      %dma_start3A_353 = tpu.memref_slice %arg2[%squeeze3A_343, %dma_start3A_352] : memref<1000000x32xf32, #tpu.memory_space<hbm>> -> memref<1x32xf32, #tpu.memory_space<hbm>>
      tpu.enqueue_dma source(%dma_start3A_353 : memref<1x32xf32, #tpu.memory_space<hbm>>) target(%dma_start3A_351 : memref<1x32xf32, #tpu.memory_space<vmem>>) target_semaphore(%arg13 : memref<!tpu.dma_semaphore, #tpu.memory_space<semaphore_mem>>)
      %slice3A_354 = vector.extract_strided_slice %get3A_128 {offsets = [9], sizes = [1], strides = [1]} : vector<16xi32> to vector<1xi32>
      %squeeze3A_355 = vector.extract %slice3A_354[0] : i32 from vector<1xi32>
      %add3A_356 = arith.constant 9 : i32
      %add3A_357 = arith.addi %add3A_119, %add3A_356 : i32
      %dma_start3A_358 = arith.constant 0 : i32
      %dma_start3A_359 = tpu.memref_slice %arg11[%add3A_357, %dma_start3A_358] : memref<256x32xf32, #tpu.memory_space<vmem>> -> memref<1x32xf32, #tpu.memory_space<vmem>>
      %dma_start3A_360 = arith.constant 0 : i32
      %dma_start3A_361 = tpu.memref_slice %arg3[%squeeze3A_355, %dma_start3A_360] : memref<1000000x32xf32, #tpu.memory_space<hbm>> -> memref<1x32xf32, #tpu.memory_space<hbm>>
      %dma_start3A_362 = arith.constant 0 : i32
      %dma_start3A_363 = tpu.memref_slice %arg11[%add3A_357, %dma_start3A_362] : memref<256x32xf32, #tpu.memory_space<vmem>> -> memref<1x32xf32, #tpu.memory_space<vmem>>
      %dma_start3A_364 = arith.constant 0 : i32
      %dma_start3A_365 = tpu.memref_slice %arg3[%squeeze3A_355, %dma_start3A_364] : memref<1000000x32xf32, #tpu.memory_space<hbm>> -> memref<1x32xf32, #tpu.memory_space<hbm>>
      tpu.enqueue_dma source(%dma_start3A_365 : memref<1x32xf32, #tpu.memory_space<hbm>>) target(%dma_start3A_363 : memref<1x32xf32, #tpu.memory_space<vmem>>) target_semaphore(%arg15 : memref<!tpu.dma_semaphore, #tpu.memory_space<semaphore_mem>>)
      %slice3A_366 = vector.extract_strided_slice %get3A_123 {offsets = [10], sizes = [1], strides = [1]} : vector<16xi32> to vector<1xi32>
      %squeeze3A_367 = vector.extract %slice3A_366[0] : i32 from vector<1xi32>
      %add3A_368 = arith.constant 10 : i32
      %add3A_369 = arith.addi %add3A_119, %add3A_368 : i32
      %dma_start3A_370 = arith.constant 0 : i32
      %dma_start3A_371 = tpu.memref_slice %arg10[%add3A_369, %dma_start3A_370] : memref<256x32xf32, #tpu.memory_space<vmem>> -> memref<1x32xf32, #tpu.memory_space<vmem>>
      %dma_start3A_372 = arith.constant 0 : i32
      %dma_start3A_373 = tpu.memref_slice %arg2[%squeeze3A_367, %dma_start3A_372] : memref<1000000x32xf32, #tpu.memory_space<hbm>> -> memref<1x32xf32, #tpu.memory_space<hbm>>
      %dma_start3A_374 = arith.constant 0 : i32
      %dma_start3A_375 = tpu.memref_slice %arg10[%add3A_369, %dma_start3A_374] : memref<256x32xf32, #tpu.memory_space<vmem>> -> memref<1x32xf32, #tpu.memory_space<vmem>>
      %dma_start3A_376 = arith.constant 0 : i32
      %dma_start3A_377 = tpu.memref_slice %arg2[%squeeze3A_367, %dma_start3A_376] : memref<1000000x32xf32, #tpu.memory_space<hbm>> -> memref<1x32xf32, #tpu.memory_space<hbm>>
      tpu.enqueue_dma source(%dma_start3A_377 : memref<1x32xf32, #tpu.memory_space<hbm>>) target(%dma_start3A_375 : memref<1x32xf32, #tpu.memory_space<vmem>>) target_semaphore(%arg12 : memref<!tpu.dma_semaphore, #tpu.memory_space<semaphore_mem>>)
      %slice3A_378 = vector.extract_strided_slice %get3A_128 {offsets = [10], sizes = [1], strides = [1]} : vector<16xi32> to vector<1xi32>
      %squeeze3A_379 = vector.extract %slice3A_378[0] : i32 from vector<1xi32>
      %add3A_380 = arith.constant 10 : i32
      %add3A_381 = arith.addi %add3A_119, %add3A_380 : i32
      %dma_start3A_382 = arith.constant 0 : i32
      %dma_start3A_383 = tpu.memref_slice %arg11[%add3A_381, %dma_start3A_382] : memref<256x32xf32, #tpu.memory_space<vmem>> -> memref<1x32xf32, #tpu.memory_space<vmem>>
      %dma_start3A_384 = arith.constant 0 : i32
      %dma_start3A_385 = tpu.memref_slice %arg3[%squeeze3A_379, %dma_start3A_384] : memref<1000000x32xf32, #tpu.memory_space<hbm>> -> memref<1x32xf32, #tpu.memory_space<hbm>>
      %dma_start3A_386 = arith.constant 0 : i32
      %dma_start3A_387 = tpu.memref_slice %arg11[%add3A_381, %dma_start3A_386] : memref<256x32xf32, #tpu.memory_space<vmem>> -> memref<1x32xf32, #tpu.memory_space<vmem>>
      %dma_start3A_388 = arith.constant 0 : i32
      %dma_start3A_389 = tpu.memref_slice %arg3[%squeeze3A_379, %dma_start3A_388] : memref<1000000x32xf32, #tpu.memory_space<hbm>> -> memref<1x32xf32, #tpu.memory_space<hbm>>
      tpu.enqueue_dma source(%dma_start3A_389 : memref<1x32xf32, #tpu.memory_space<hbm>>) target(%dma_start3A_387 : memref<1x32xf32, #tpu.memory_space<vmem>>) target_semaphore(%arg14 : memref<!tpu.dma_semaphore, #tpu.memory_space<semaphore_mem>>)
      %slice3A_390 = vector.extract_strided_slice %get3A_123 {offsets = [11], sizes = [1], strides = [1]} : vector<16xi32> to vector<1xi32>
      %squeeze3A_391 = vector.extract %slice3A_390[0] : i32 from vector<1xi32>
      %add3A_392 = arith.constant 11 : i32
      %add3A_393 = arith.addi %add3A_119, %add3A_392 : i32
      %dma_start3A_394 = arith.constant 0 : i32
      %dma_start3A_395 = tpu.memref_slice %arg10[%add3A_393, %dma_start3A_394] : memref<256x32xf32, #tpu.memory_space<vmem>> -> memref<1x32xf32, #tpu.memory_space<vmem>>
      %dma_start3A_396 = arith.constant 0 : i32
      %dma_start3A_397 = tpu.memref_slice %arg2[%squeeze3A_391, %dma_start3A_396] : memref<1000000x32xf32, #tpu.memory_space<hbm>> -> memref<1x32xf32, #tpu.memory_space<hbm>>
      %dma_start3A_398 = arith.constant 0 : i32
      %dma_start3A_399 = tpu.memref_slice %arg10[%add3A_393, %dma_start3A_398] : memref<256x32xf32, #tpu.memory_space<vmem>> -> memref<1x32xf32, #tpu.memory_space<vmem>>
      %dma_start3A_400 = arith.constant 0 : i32
      %dma_start3A_401 = tpu.memref_slice %arg2[%squeeze3A_391, %dma_start3A_400] : memref<1000000x32xf32, #tpu.memory_space<hbm>> -> memref<1x32xf32, #tpu.memory_space<hbm>>
      tpu.enqueue_dma source(%dma_start3A_401 : memref<1x32xf32, #tpu.memory_space<hbm>>) target(%dma_start3A_399 : memref<1x32xf32, #tpu.memory_space<vmem>>) target_semaphore(%arg13 : memref<!tpu.dma_semaphore, #tpu.memory_space<semaphore_mem>>)
      %slice3A_402 = vector.extract_strided_slice %get3A_128 {offsets = [11], sizes = [1], strides = [1]} : vector<16xi32> to vector<1xi32>
      %squeeze3A_403 = vector.extract %slice3A_402[0] : i32 from vector<1xi32>
      %add3A_404 = arith.constant 11 : i32
      %add3A_405 = arith.addi %add3A_119, %add3A_404 : i32
      %dma_start3A_406 = arith.constant 0 : i32
      %dma_start3A_407 = tpu.memref_slice %arg11[%add3A_405, %dma_start3A_406] : memref<256x32xf32, #tpu.memory_space<vmem>> -> memref<1x32xf32, #tpu.memory_space<vmem>>
      %dma_start3A_408 = arith.constant 0 : i32
      %dma_start3A_409 = tpu.memref_slice %arg3[%squeeze3A_403, %dma_start3A_408] : memref<1000000x32xf32, #tpu.memory_space<hbm>> -> memref<1x32xf32, #tpu.memory_space<hbm>>
      %dma_start3A_410 = arith.constant 0 : i32
      %dma_start3A_411 = tpu.memref_slice %arg11[%add3A_405, %dma_start3A_410] : memref<256x32xf32, #tpu.memory_space<vmem>> -> memref<1x32xf32, #tpu.memory_space<vmem>>
      %dma_start3A_412 = arith.constant 0 : i32
      %dma_start3A_413 = tpu.memref_slice %arg3[%squeeze3A_403, %dma_start3A_412] : memref<1000000x32xf32, #tpu.memory_space<hbm>> -> memref<1x32xf32, #tpu.memory_space<hbm>>
      tpu.enqueue_dma source(%dma_start3A_413 : memref<1x32xf32, #tpu.memory_space<hbm>>) target(%dma_start3A_411 : memref<1x32xf32, #tpu.memory_space<vmem>>) target_semaphore(%arg15 : memref<!tpu.dma_semaphore, #tpu.memory_space<semaphore_mem>>)
      %slice3A_414 = vector.extract_strided_slice %get3A_123 {offsets = [12], sizes = [1], strides = [1]} : vector<16xi32> to vector<1xi32>
      %squeeze3A_415 = vector.extract %slice3A_414[0] : i32 from vector<1xi32>
      %add3A_416 = arith.constant 12 : i32
      %add3A_417 = arith.addi %add3A_119, %add3A_416 : i32
      %dma_start3A_418 = arith.constant 0 : i32
      %dma_start3A_419 = tpu.memref_slice %arg10[%add3A_417, %dma_start3A_418] : memref<256x32xf32, #tpu.memory_space<vmem>> -> memref<1x32xf32, #tpu.memory_space<vmem>>
      %dma_start3A_420 = arith.constant 0 : i32
      %dma_start3A_421 = tpu.memref_slice %arg2[%squeeze3A_415, %dma_start3A_420] : memref<1000000x32xf32, #tpu.memory_space<hbm>> -> memref<1x32xf32, #tpu.memory_space<hbm>>
      %dma_start3A_422 = arith.constant 0 : i32
      %dma_start3A_423 = tpu.memref_slice %arg10[%add3A_417, %dma_start3A_422] : memref<256x32xf32, #tpu.memory_space<vmem>> -> memref<1x32xf32, #tpu.memory_space<vmem>>
      %dma_start3A_424 = arith.constant 0 : i32
      %dma_start3A_425 = tpu.memref_slice %arg2[%squeeze3A_415, %dma_start3A_424] : memref<1000000x32xf32, #tpu.memory_space<hbm>> -> memref<1x32xf32, #tpu.memory_space<hbm>>
      tpu.enqueue_dma source(%dma_start3A_425 : memref<1x32xf32, #tpu.memory_space<hbm>>) target(%dma_start3A_423 : memref<1x32xf32, #tpu.memory_space<vmem>>) target_semaphore(%arg12 : memref<!tpu.dma_semaphore, #tpu.memory_space<semaphore_mem>>)
      %slice3A_426 = vector.extract_strided_slice %get3A_128 {offsets = [12], sizes = [1], strides = [1]} : vector<16xi32> to vector<1xi32>
      %squeeze3A_427 = vector.extract %slice3A_426[0] : i32 from vector<1xi32>
      %add3A_428 = arith.constant 12 : i32
      %add3A_429 = arith.addi %add3A_119, %add3A_428 : i32
      %dma_start3A_430 = arith.constant 0 : i32
      %dma_start3A_431 = tpu.memref_slice %arg11[%add3A_429, %dma_start3A_430] : memref<256x32xf32, #tpu.memory_space<vmem>> -> memref<1x32xf32, #tpu.memory_space<vmem>>
      %dma_start3A_432 = arith.constant 0 : i32
      %dma_start3A_433 = tpu.memref_slice %arg3[%squeeze3A_427, %dma_start3A_432] : memref<1000000x32xf32, #tpu.memory_space<hbm>> -> memref<1x32xf32, #tpu.memory_space<hbm>>
      %dma_start3A_434 = arith.constant 0 : i32
      %dma_start3A_435 = tpu.memref_slice %arg11[%add3A_429, %dma_start3A_434] : memref<256x32xf32, #tpu.memory_space<vmem>> -> memref<1x32xf32, #tpu.memory_space<vmem>>
      %dma_start3A_436 = arith.constant 0 : i32
      %dma_start3A_437 = tpu.memref_slice %arg3[%squeeze3A_427, %dma_start3A_436] : memref<1000000x32xf32, #tpu.memory_space<hbm>> -> memref<1x32xf32, #tpu.memory_space<hbm>>
      tpu.enqueue_dma source(%dma_start3A_437 : memref<1x32xf32, #tpu.memory_space<hbm>>) target(%dma_start3A_435 : memref<1x32xf32, #tpu.memory_space<vmem>>) target_semaphore(%arg14 : memref<!tpu.dma_semaphore, #tpu.memory_space<semaphore_mem>>)
      %slice3A_438 = vector.extract_strided_slice %get3A_123 {offsets = [13], sizes = [1], strides = [1]} : vector<16xi32> to vector<1xi32>
      %squeeze3A_439 = vector.extract %slice3A_438[0] : i32 from vector<1xi32>
      %add3A_440 = arith.constant 13 : i32
      %add3A_441 = arith.addi %add3A_119, %add3A_440 : i32
      %dma_start3A_442 = arith.constant 0 : i32
      %dma_start3A_443 = tpu.memref_slice %arg10[%add3A_441, %dma_start3A_442] : memref<256x32xf32, #tpu.memory_space<vmem>> -> memref<1x32xf32, #tpu.memory_space<vmem>>
      %dma_start3A_444 = arith.constant 0 : i32
      %dma_start3A_445 = tpu.memref_slice %arg2[%squeeze3A_439, %dma_start3A_444] : memref<1000000x32xf32, #tpu.memory_space<hbm>> -> memref<1x32xf32, #tpu.memory_space<hbm>>
      %dma_start3A_446 = arith.constant 0 : i32
      %dma_start3A_447 = tpu.memref_slice %arg10[%add3A_441, %dma_start3A_446] : memref<256x32xf32, #tpu.memory_space<vmem>> -> memref<1x32xf32, #tpu.memory_space<vmem>>
      %dma_start3A_448 = arith.constant 0 : i32
      %dma_start3A_449 = tpu.memref_slice %arg2[%squeeze3A_439, %dma_start3A_448] : memref<1000000x32xf32, #tpu.memory_space<hbm>> -> memref<1x32xf32, #tpu.memory_space<hbm>>
      tpu.enqueue_dma source(%dma_start3A_449 : memref<1x32xf32, #tpu.memory_space<hbm>>) target(%dma_start3A_447 : memref<1x32xf32, #tpu.memory_space<vmem>>) target_semaphore(%arg13 : memref<!tpu.dma_semaphore, #tpu.memory_space<semaphore_mem>>)
      %slice3A_450 = vector.extract_strided_slice %get3A_128 {offsets = [13], sizes = [1], strides = [1]} : vector<16xi32> to vector<1xi32>
      %squeeze3A_451 = vector.extract %slice3A_450[0] : i32 from vector<1xi32>
      %add3A_452 = arith.constant 13 : i32
      %add3A_453 = arith.addi %add3A_119, %add3A_452 : i32
      %dma_start3A_454 = arith.constant 0 : i32
      %dma_start3A_455 = tpu.memref_slice %arg11[%add3A_453, %dma_start3A_454] : memref<256x32xf32, #tpu.memory_space<vmem>> -> memref<1x32xf32, #tpu.memory_space<vmem>>
      %dma_start3A_456 = arith.constant 0 : i32
      %dma_start3A_457 = tpu.memref_slice %arg3[%squeeze3A_451, %dma_start3A_456] : memref<1000000x32xf32, #tpu.memory_space<hbm>> -> memref<1x32xf32, #tpu.memory_space<hbm>>
      %dma_start3A_458 = arith.constant 0 : i32
      %dma_start3A_459 = tpu.memref_slice %arg11[%add3A_453, %dma_start3A_458] : memref<256x32xf32, #tpu.memory_space<vmem>> -> memref<1x32xf32, #tpu.memory_space<vmem>>
      %dma_start3A_460 = arith.constant 0 : i32
      %dma_start3A_461 = tpu.memref_slice %arg3[%squeeze3A_451, %dma_start3A_460] : memref<1000000x32xf32, #tpu.memory_space<hbm>> -> memref<1x32xf32, #tpu.memory_space<hbm>>
      tpu.enqueue_dma source(%dma_start3A_461 : memref<1x32xf32, #tpu.memory_space<hbm>>) target(%dma_start3A_459 : memref<1x32xf32, #tpu.memory_space<vmem>>) target_semaphore(%arg15 : memref<!tpu.dma_semaphore, #tpu.memory_space<semaphore_mem>>)
      %slice3A_462 = vector.extract_strided_slice %get3A_123 {offsets = [14], sizes = [1], strides = [1]} : vector<16xi32> to vector<1xi32>
      %squeeze3A_463 = vector.extract %slice3A_462[0] : i32 from vector<1xi32>
      %add3A_464 = arith.constant 14 : i32
      %add3A_465 = arith.addi %add3A_119, %add3A_464 : i32
      %dma_start3A_466 = arith.constant 0 : i32
      %dma_start3A_467 = tpu.memref_slice %arg10[%add3A_465, %dma_start3A_466] : memref<256x32xf32, #tpu.memory_space<vmem>> -> memref<1x32xf32, #tpu.memory_space<vmem>>
      %dma_start3A_468 = arith.constant 0 : i32
      %dma_start3A_469 = tpu.memref_slice %arg2[%squeeze3A_463, %dma_start3A_468] : memref<1000000x32xf32, #tpu.memory_space<hbm>> -> memref<1x32xf32, #tpu.memory_space<hbm>>
      %dma_start3A_470 = arith.constant 0 : i32
      %dma_start3A_471 = tpu.memref_slice %arg10[%add3A_465, %dma_start3A_470] : memref<256x32xf32, #tpu.memory_space<vmem>> -> memref<1x32xf32, #tpu.memory_space<vmem>>
      %dma_start3A_472 = arith.constant 0 : i32
      %dma_start3A_473 = tpu.memref_slice %arg2[%squeeze3A_463, %dma_start3A_472] : memref<1000000x32xf32, #tpu.memory_space<hbm>> -> memref<1x32xf32, #tpu.memory_space<hbm>>
      tpu.enqueue_dma source(%dma_start3A_473 : memref<1x32xf32, #tpu.memory_space<hbm>>) target(%dma_start3A_471 : memref<1x32xf32, #tpu.memory_space<vmem>>) target_semaphore(%arg12 : memref<!tpu.dma_semaphore, #tpu.memory_space<semaphore_mem>>)
      %slice3A_474 = vector.extract_strided_slice %get3A_128 {offsets = [14], sizes = [1], strides = [1]} : vector<16xi32> to vector<1xi32>
      %squeeze3A_475 = vector.extract %slice3A_474[0] : i32 from vector<1xi32>
      %add3A_476 = arith.constant 14 : i32
      %add3A_477 = arith.addi %add3A_119, %add3A_476 : i32
      %dma_start3A_478 = arith.constant 0 : i32
      %dma_start3A_479 = tpu.memref_slice %arg11[%add3A_477, %dma_start3A_478] : memref<256x32xf32, #tpu.memory_space<vmem>> -> memref<1x32xf32, #tpu.memory_space<vmem>>
      %dma_start3A_480 = arith.constant 0 : i32
      %dma_start3A_481 = tpu.memref_slice %arg3[%squeeze3A_475, %dma_start3A_480] : memref<1000000x32xf32, #tpu.memory_space<hbm>> -> memref<1x32xf32, #tpu.memory_space<hbm>>
      %dma_start3A_482 = arith.constant 0 : i32
      %dma_start3A_483 = tpu.memref_slice %arg11[%add3A_477, %dma_start3A_482] : memref<256x32xf32, #tpu.memory_space<vmem>> -> memref<1x32xf32, #tpu.memory_space<vmem>>
      %dma_start3A_484 = arith.constant 0 : i32
      %dma_start3A_485 = tpu.memref_slice %arg3[%squeeze3A_475, %dma_start3A_484] : memref<1000000x32xf32, #tpu.memory_space<hbm>> -> memref<1x32xf32, #tpu.memory_space<hbm>>
      tpu.enqueue_dma source(%dma_start3A_485 : memref<1x32xf32, #tpu.memory_space<hbm>>) target(%dma_start3A_483 : memref<1x32xf32, #tpu.memory_space<vmem>>) target_semaphore(%arg14 : memref<!tpu.dma_semaphore, #tpu.memory_space<semaphore_mem>>)
      %slice3A_486 = vector.extract_strided_slice %get3A_123 {offsets = [15], sizes = [1], strides = [1]} : vector<16xi32> to vector<1xi32>
      %squeeze3A_487 = vector.extract %slice3A_486[0] : i32 from vector<1xi32>
      %add3A_488 = arith.constant 15 : i32
      %add3A_489 = arith.addi %add3A_119, %add3A_488 : i32
      %dma_start3A_490 = arith.constant 0 : i32
      %dma_start3A_491 = tpu.memref_slice %arg10[%add3A_489, %dma_start3A_490] : memref<256x32xf32, #tpu.memory_space<vmem>> -> memref<1x32xf32, #tpu.memory_space<vmem>>
      %dma_start3A_492 = arith.constant 0 : i32
      %dma_start3A_493 = tpu.memref_slice %arg2[%squeeze3A_487, %dma_start3A_492] : memref<1000000x32xf32, #tpu.memory_space<hbm>> -> memref<1x32xf32, #tpu.memory_space<hbm>>
      %dma_start3A_494 = arith.constant 0 : i32
      %dma_start3A_495 = tpu.memref_slice %arg10[%add3A_489, %dma_start3A_494] : memref<256x32xf32, #tpu.memory_space<vmem>> -> memref<1x32xf32, #tpu.memory_space<vmem>>
      %dma_start3A_496 = arith.constant 0 : i32
      %dma_start3A_497 = tpu.memref_slice %arg2[%squeeze3A_487, %dma_start3A_496] : memref<1000000x32xf32, #tpu.memory_space<hbm>> -> memref<1x32xf32, #tpu.memory_space<hbm>>
      tpu.enqueue_dma source(%dma_start3A_497 : memref<1x32xf32, #tpu.memory_space<hbm>>) target(%dma_start3A_495 : memref<1x32xf32, #tpu.memory_space<vmem>>) target_semaphore(%arg13 : memref<!tpu.dma_semaphore, #tpu.memory_space<semaphore_mem>>)
      %slice3A_498 = vector.extract_strided_slice %get3A_128 {offsets = [15], sizes = [1], strides = [1]} : vector<16xi32> to vector<1xi32>
      %squeeze3A_499 = vector.extract %slice3A_498[0] : i32 from vector<1xi32>
      %add3A_500 = arith.constant 15 : i32
      %add3A_501 = arith.addi %add3A_119, %add3A_500 : i32
      %dma_start3A_502 = arith.constant 0 : i32
      %dma_start3A_503 = tpu.memref_slice %arg11[%add3A_501, %dma_start3A_502] : memref<256x32xf32, #tpu.memory_space<vmem>> -> memref<1x32xf32, #tpu.memory_space<vmem>>
      %dma_start3A_504 = arith.constant 0 : i32
      %dma_start3A_505 = tpu.memref_slice %arg3[%squeeze3A_499, %dma_start3A_504] : memref<1000000x32xf32, #tpu.memory_space<hbm>> -> memref<1x32xf32, #tpu.memory_space<hbm>>
      %dma_start3A_506 = arith.constant 0 : i32
      %dma_start3A_507 = tpu.memref_slice %arg11[%add3A_501, %dma_start3A_506] : memref<256x32xf32, #tpu.memory_space<vmem>> -> memref<1x32xf32, #tpu.memory_space<vmem>>
      %dma_start3A_508 = arith.constant 0 : i32
      %dma_start3A_509 = tpu.memref_slice %arg3[%squeeze3A_499, %dma_start3A_508] : memref<1000000x32xf32, #tpu.memory_space<hbm>> -> memref<1x32xf32, #tpu.memory_space<hbm>>
      tpu.enqueue_dma source(%dma_start3A_509 : memref<1x32xf32, #tpu.memory_space<hbm>>) target(%dma_start3A_507 : memref<1x32xf32, #tpu.memory_space<vmem>>) target_semaphore(%arg15 : memref<!tpu.dma_semaphore, #tpu.memory_space<semaphore_mem>>)
    }
    %scan3A_6 = arith.constant 16 : i32
    %dma_wait3A = arith.constant 0 : i32
    %dma_wait3A_7 = arith.constant 0 : i32
    %dma_wait3A_8 = tpu.memref_slice %arg10[%dma_wait3A, %dma_wait3A_7] : memref<256x32xf32, #tpu.memory_space<vmem>> -> memref<128x32xf32, #tpu.memory_space<vmem>>
    %dma_wait3A_9 = arith.constant 0 : i32
    %dma_wait3A_10 = arith.constant 0 : i32
    %dma_wait3A_11 = tpu.memref_slice %arg2[%dma_wait3A_9, %dma_wait3A_10] : memref<1000000x32xf32, #tpu.memory_space<hbm>> -> memref<128x32xf32, #tpu.memory_space<hbm>>
    %dma_wait3A_12 = arith.constant 0 : i32
    %dma_wait3A_13 = arith.constant 0 : i32
    %dma_wait3A_14 = tpu.memref_slice %arg10[%dma_wait3A_12, %dma_wait3A_13] : memref<256x32xf32, #tpu.memory_space<vmem>> -> memref<128x32xf32, #tpu.memory_space<vmem>>
    %dma_wait3A_15 = arith.constant 0 : i32
    %dma_wait3A_16 = arith.constant 0 : i32
    %dma_wait3A_17 = tpu.memref_slice %arg2[%dma_wait3A_15, %dma_wait3A_16] : memref<1000000x32xf32, #tpu.memory_space<hbm>> -> memref<128x32xf32, #tpu.memory_space<hbm>>
    tpu.wait_dma2 semaphore(%arg12 : memref<!tpu.dma_semaphore, #tpu.memory_space<semaphore_mem>>) src(%dma_wait3A_17 : memref<128x32xf32, #tpu.memory_space<hbm>>) dst(%dma_wait3A_14 : memref<128x32xf32, #tpu.memory_space<vmem>>)
    %dma_wait3A_18 = arith.constant 0 : i32
    %dma_wait3A_19 = arith.constant 0 : i32
    %dma_wait3A_20 = tpu.memref_slice %arg10[%dma_wait3A_18, %dma_wait3A_19] : memref<256x32xf32, #tpu.memory_space<vmem>> -> memref<128x32xf32, #tpu.memory_space<vmem>>
    %dma_wait3A_21 = arith.constant 0 : i32
    %dma_wait3A_22 = arith.constant 0 : i32
    %dma_wait3A_23 = tpu.memref_slice %arg2[%dma_wait3A_21, %dma_wait3A_22] : memref<1000000x32xf32, #tpu.memory_space<hbm>> -> memref<128x32xf32, #tpu.memory_space<hbm>>
    %dma_wait3A_24 = arith.constant 0 : i32
    %dma_wait3A_25 = arith.constant 0 : i32
    %dma_wait3A_26 = tpu.memref_slice %arg10[%dma_wait3A_24, %dma_wait3A_25] : memref<256x32xf32, #tpu.memory_space<vmem>> -> memref<128x32xf32, #tpu.memory_space<vmem>>
    %dma_wait3A_27 = arith.constant 0 : i32
    %dma_wait3A_28 = arith.constant 0 : i32
    %dma_wait3A_29 = tpu.memref_slice %arg2[%dma_wait3A_27, %dma_wait3A_28] : memref<1000000x32xf32, #tpu.memory_space<hbm>> -> memref<128x32xf32, #tpu.memory_space<hbm>>
    tpu.wait_dma2 semaphore(%arg13 : memref<!tpu.dma_semaphore, #tpu.memory_space<semaphore_mem>>) src(%dma_wait3A_29 : memref<128x32xf32, #tpu.memory_space<hbm>>) dst(%dma_wait3A_26 : memref<128x32xf32, #tpu.memory_space<vmem>>)
    %add3A_30 = arith.constant 0 : i32
    %add3A_31 = arith.addi %mul3A_2, %add3A_30 : i32
    "tpu.region"() ({
      %run_scoped3A = tpu.sem_alloc : memref<!tpu.dma_semaphore, #tpu.memory_space<semaphore_mem>>
      %dma_start3A = arith.constant 0 : i32
      %dma_start3A_115 = tpu.memref_slice %arg6[%add3A_31, %dma_start3A] : memref<16384x32xf32, #tpu.memory_space<hbm>> -> memref<256x32xf32, #tpu.memory_space<hbm>>
      %dma_start3A_116 = arith.constant 0 : i32
      %dma_start3A_117 = tpu.memref_slice %arg6[%add3A_31, %dma_start3A_116] : memref<16384x32xf32, #tpu.memory_space<hbm>> -> memref<256x32xf32, #tpu.memory_space<hbm>>
      tpu.enqueue_dma source(%arg10 : memref<256x32xf32, #tpu.memory_space<vmem>>) target(%dma_start3A_117 : memref<256x32xf32, #tpu.memory_space<hbm>>) target_semaphore(%run_scoped3A : memref<!tpu.dma_semaphore, #tpu.memory_space<semaphore_mem>>)
      %dma_wait3A_118 = arith.constant 0 : i32
      %dma_wait3A_119 = tpu.memref_slice %arg6[%add3A_31, %dma_wait3A_118] : memref<16384x32xf32, #tpu.memory_space<hbm>> -> memref<256x32xf32, #tpu.memory_space<hbm>>
      %dma_wait3A_120 = arith.constant 0 : i32
      %dma_wait3A_121 = tpu.memref_slice %arg6[%add3A_31, %dma_wait3A_120] : memref<16384x32xf32, #tpu.memory_space<hbm>> -> memref<256x32xf32, #tpu.memory_space<hbm>>
      tpu.wait_dma2 semaphore(%run_scoped3A : memref<!tpu.dma_semaphore, #tpu.memory_space<semaphore_mem>>) src(%arg10 : memref<256x32xf32, #tpu.memory_space<vmem>>) dst(%dma_wait3A_121 : memref<256x32xf32, #tpu.memory_space<hbm>>)
      tpu.yield
    }) : () -> ()
    %dma_wait3A_32 = arith.constant 0 : i32
    %dma_wait3A_33 = arith.constant 0 : i32
    %dma_wait3A_34 = tpu.memref_slice %arg11[%dma_wait3A_32, %dma_wait3A_33] : memref<256x32xf32, #tpu.memory_space<vmem>> -> memref<128x32xf32, #tpu.memory_space<vmem>>
    %dma_wait3A_35 = arith.constant 0 : i32
    %dma_wait3A_36 = arith.constant 0 : i32
    %dma_wait3A_37 = tpu.memref_slice %arg3[%dma_wait3A_35, %dma_wait3A_36] : memref<1000000x32xf32, #tpu.memory_space<hbm>> -> memref<128x32xf32, #tpu.memory_space<hbm>>
    %dma_wait3A_38 = arith.constant 0 : i32
    %dma_wait3A_39 = arith.constant 0 : i32
    %dma_wait3A_40 = tpu.memref_slice %arg11[%dma_wait3A_38, %dma_wait3A_39] : memref<256x32xf32, #tpu.memory_space<vmem>> -> memref<128x32xf32, #tpu.memory_space<vmem>>
    %dma_wait3A_41 = arith.constant 0 : i32
    %dma_wait3A_42 = arith.constant 0 : i32
    %dma_wait3A_43 = tpu.memref_slice %arg3[%dma_wait3A_41, %dma_wait3A_42] : memref<1000000x32xf32, #tpu.memory_space<hbm>> -> memref<128x32xf32, #tpu.memory_space<hbm>>
    tpu.wait_dma2 semaphore(%arg14 : memref<!tpu.dma_semaphore, #tpu.memory_space<semaphore_mem>>) src(%dma_wait3A_43 : memref<128x32xf32, #tpu.memory_space<hbm>>) dst(%dma_wait3A_40 : memref<128x32xf32, #tpu.memory_space<vmem>>)
    %dma_wait3A_44 = arith.constant 0 : i32
    %dma_wait3A_45 = arith.constant 0 : i32
    %dma_wait3A_46 = tpu.memref_slice %arg11[%dma_wait3A_44, %dma_wait3A_45] : memref<256x32xf32, #tpu.memory_space<vmem>> -> memref<128x32xf32, #tpu.memory_space<vmem>>
    %dma_wait3A_47 = arith.constant 0 : i32
    %dma_wait3A_48 = arith.constant 0 : i32
    %dma_wait3A_49 = tpu.memref_slice %arg3[%dma_wait3A_47, %dma_wait3A_48] : memref<1000000x32xf32, #tpu.memory_space<hbm>> -> memref<128x32xf32, #tpu.memory_space<hbm>>
    %dma_wait3A_50 = arith.constant 0 : i32
    %dma_wait3A_51 = arith.constant 0 : i32
    %dma_wait3A_52 = tpu.memref_slice %arg11[%dma_wait3A_50, %dma_wait3A_51] : memref<256x32xf32, #tpu.memory_space<vmem>> -> memref<128x32xf32, #tpu.memory_space<vmem>>
    %dma_wait3A_53 = arith.constant 0 : i32
    %dma_wait3A_54 = arith.constant 0 : i32
    %dma_wait3A_55 = tpu.memref_slice %arg3[%dma_wait3A_53, %dma_wait3A_54] : memref<1000000x32xf32, #tpu.memory_space<hbm>> -> memref<128x32xf32, #tpu.memory_space<hbm>>
    tpu.wait_dma2 semaphore(%arg15 : memref<!tpu.dma_semaphore, #tpu.memory_space<semaphore_mem>>) src(%dma_wait3A_55 : memref<128x32xf32, #tpu.memory_space<hbm>>) dst(%dma_wait3A_52 : memref<128x32xf32, #tpu.memory_space<vmem>>)
    %add3A_56 = arith.constant 0 : i32
    %add3A_57 = arith.addi %mul3A_2, %add3A_56 : i32
    "tpu.region"() ({
      %run_scoped3A = tpu.sem_alloc : memref<!tpu.dma_semaphore, #tpu.memory_space<semaphore_mem>>
      %dma_start3A = arith.constant 0 : i32
      %dma_start3A_115 = tpu.memref_slice %arg7[%add3A_57, %dma_start3A] : memref<16384x32xf32, #tpu.memory_space<hbm>> -> memref<256x32xf32, #tpu.memory_space<hbm>>
      %dma_start3A_116 = arith.constant 0 : i32
      %dma_start3A_117 = tpu.memref_slice %arg7[%add3A_57, %dma_start3A_116] : memref<16384x32xf32, #tpu.memory_space<hbm>> -> memref<256x32xf32, #tpu.memory_space<hbm>>
      tpu.enqueue_dma source(%arg11 : memref<256x32xf32, #tpu.memory_space<vmem>>) target(%dma_start3A_117 : memref<256x32xf32, #tpu.memory_space<hbm>>) target_semaphore(%run_scoped3A : memref<!tpu.dma_semaphore, #tpu.memory_space<semaphore_mem>>)
      %dma_wait3A_118 = arith.constant 0 : i32
      %dma_wait3A_119 = tpu.memref_slice %arg7[%add3A_57, %dma_wait3A_118] : memref<16384x32xf32, #tpu.memory_space<hbm>> -> memref<256x32xf32, #tpu.memory_space<hbm>>
      %dma_wait3A_120 = arith.constant 0 : i32
      %dma_wait3A_121 = tpu.memref_slice %arg7[%add3A_57, %dma_wait3A_120] : memref<16384x32xf32, #tpu.memory_space<hbm>> -> memref<256x32xf32, #tpu.memory_space<hbm>>
      tpu.wait_dma2 semaphore(%run_scoped3A : memref<!tpu.dma_semaphore, #tpu.memory_space<semaphore_mem>>) src(%arg11 : memref<256x32xf32, #tpu.memory_space<vmem>>) dst(%dma_wait3A_121 : memref<256x32xf32, #tpu.memory_space<hbm>>)
      tpu.yield
    }) : () -> ()
    %scan3A_58 = arith.constant 0 : i32
    %scan3A_59 = arith.constant 16 : i32
    %scan3A_60 = arith.addi %scan3A_58, %scan3A_59 : i32
    %scan3A_61 = arith.constant 1 : i32
    scf.for %scan3A_115 = %scan3A_58 to %scan3A_60 step %scan3A_61  : i32 {
      %mul3A_116 = arith.constant 16 : i32
      %mul3A_117 = arith.muli %scan3A_115, %mul3A_116 : i32
      %add3A_118 = arith.constant 0 : i32
      %add3A_119 = arith.addi %add3A_118, %mul3A_117 : i32
      %add3A_120 = arith.constant 256 : i32
      %add3A_121 = arith.addi %add3A_120, %add3A_119 : i32
      %get3A = arith.index_cast %add3A_121 : i32 to index
      %get3A_122 = tpu.vector_load %arg8[%get3A] {strides = array<i32>} : memref<512xi32, #tpu.memory_space<vmem>>, vector<16xi32>,
      %get3A_123 = vector.shape_cast %get3A_122 : vector<16xi32> to vector<16xi32>
      %add3A_124 = arith.constant 256 : i32
      %add3A_125 = arith.addi %add3A_124, %add3A_119 : i32
      %get3A_126 = arith.index_cast %add3A_125 : i32 to index
      %get3A_127 = tpu.vector_load %arg9[%get3A_126] {strides = array<i32>} : memref<512xi32, #tpu.memory_space<vmem>>, vector<16xi32>,
      %get3A_128 = vector.shape_cast %get3A_127 : vector<16xi32> to vector<16xi32>
      %slice3A = vector.extract_strided_slice %get3A_123 {offsets = [0], sizes = [1], strides = [1]} : vector<16xi32> to vector<1xi32>
      %squeeze3A = vector.extract %slice3A[0] : i32 from vector<1xi32>
      %add3A_129 = arith.constant 0 : i32
      %add3A_130 = arith.addi %add3A_119, %add3A_129 : i32
      %dma_start3A = arith.constant 0 : i32
      %dma_start3A_131 = tpu.memref_slice %arg10[%add3A_130, %dma_start3A] : memref<256x32xf32, #tpu.memory_space<vmem>> -> memref<1x32xf32, #tpu.memory_space<vmem>>
      %dma_start3A_132 = arith.constant 0 : i32
      %dma_start3A_133 = tpu.memref_slice %arg2[%squeeze3A, %dma_start3A_132] : memref<1000000x32xf32, #tpu.memory_space<hbm>> -> memref<1x32xf32, #tpu.memory_space<hbm>>
      %dma_start3A_134 = arith.constant 0 : i32
      %dma_start3A_135 = tpu.memref_slice %arg10[%add3A_130, %dma_start3A_134] : memref<256x32xf32, #tpu.memory_space<vmem>> -> memref<1x32xf32, #tpu.memory_space<vmem>>
      %dma_start3A_136 = arith.constant 0 : i32
      %dma_start3A_137 = tpu.memref_slice %arg2[%squeeze3A, %dma_start3A_136] : memref<1000000x32xf32, #tpu.memory_space<hbm>> -> memref<1x32xf32, #tpu.memory_space<hbm>>
      tpu.enqueue_dma source(%dma_start3A_137 : memref<1x32xf32, #tpu.memory_space<hbm>>) target(%dma_start3A_135 : memref<1x32xf32, #tpu.memory_space<vmem>>) target_semaphore(%arg12 : memref<!tpu.dma_semaphore, #tpu.memory_space<semaphore_mem>>)
      %slice3A_138 = vector.extract_strided_slice %get3A_128 {offsets = [0], sizes = [1], strides = [1]} : vector<16xi32> to vector<1xi32>
      %squeeze3A_139 = vector.extract %slice3A_138[0] : i32 from vector<1xi32>
      %add3A_140 = arith.constant 0 : i32
      %add3A_141 = arith.addi %add3A_119, %add3A_140 : i32
      %dma_start3A_142 = arith.constant 0 : i32
      %dma_start3A_143 = tpu.memref_slice %arg11[%add3A_141, %dma_start3A_142] : memref<256x32xf32, #tpu.memory_space<vmem>> -> memref<1x32xf32, #tpu.memory_space<vmem>>
      %dma_start3A_144 = arith.constant 0 : i32
      %dma_start3A_145 = tpu.memref_slice %arg3[%squeeze3A_139, %dma_start3A_144] : memref<1000000x32xf32, #tpu.memory_space<hbm>> -> memref<1x32xf32, #tpu.memory_space<hbm>>
      %dma_start3A_146 = arith.constant 0 : i32
      %dma_start3A_147 = tpu.memref_slice %arg11[%add3A_141, %dma_start3A_146] : memref<256x32xf32, #tpu.memory_space<vmem>> -> memref<1x32xf32, #tpu.memory_space<vmem>>
      %dma_start3A_148 = arith.constant 0 : i32
      %dma_start3A_149 = tpu.memref_slice %arg3[%squeeze3A_139, %dma_start3A_148] : memref<1000000x32xf32, #tpu.memory_space<hbm>> -> memref<1x32xf32, #tpu.memory_space<hbm>>
      tpu.enqueue_dma source(%dma_start3A_149 : memref<1x32xf32, #tpu.memory_space<hbm>>) target(%dma_start3A_147 : memref<1x32xf32, #tpu.memory_space<vmem>>) target_semaphore(%arg14 : memref<!tpu.dma_semaphore, #tpu.memory_space<semaphore_mem>>)
      %slice3A_150 = vector.extract_strided_slice %get3A_123 {offsets = [1], sizes = [1], strides = [1]} : vector<16xi32> to vector<1xi32>
      %squeeze3A_151 = vector.extract %slice3A_150[0] : i32 from vector<1xi32>
      %add3A_152 = arith.constant 1 : i32
      %add3A_153 = arith.addi %add3A_119, %add3A_152 : i32
      %dma_start3A_154 = arith.constant 0 : i32
      %dma_start3A_155 = tpu.memref_slice %arg10[%add3A_153, %dma_start3A_154] : memref<256x32xf32, #tpu.memory_space<vmem>> -> memref<1x32xf32, #tpu.memory_space<vmem>>
      %dma_start3A_156 = arith.constant 0 : i32
      %dma_start3A_157 = tpu.memref_slice %arg2[%squeeze3A_151, %dma_start3A_156] : memref<1000000x32xf32, #tpu.memory_space<hbm>> -> memref<1x32xf32, #tpu.memory_space<hbm>>
      %dma_start3A_158 = arith.constant 0 : i32
      %dma_start3A_159 = tpu.memref_slice %arg10[%add3A_153, %dma_start3A_158] : memref<256x32xf32, #tpu.memory_space<vmem>> -> memref<1x32xf32, #tpu.memory_space<vmem>>
      %dma_start3A_160 = arith.constant 0 : i32
      %dma_start3A_161 = tpu.memref_slice %arg2[%squeeze3A_151, %dma_start3A_160] : memref<1000000x32xf32, #tpu.memory_space<hbm>> -> memref<1x32xf32, #tpu.memory_space<hbm>>
      tpu.enqueue_dma source(%dma_start3A_161 : memref<1x32xf32, #tpu.memory_space<hbm>>) target(%dma_start3A_159 : memref<1x32xf32, #tpu.memory_space<vmem>>) target_semaphore(%arg13 : memref<!tpu.dma_semaphore, #tpu.memory_space<semaphore_mem>>)
      %slice3A_162 = vector.extract_strided_slice %get3A_128 {offsets = [1], sizes = [1], strides = [1]} : vector<16xi32> to vector<1xi32>
      %squeeze3A_163 = vector.extract %slice3A_162[0] : i32 from vector<1xi32>
      %add3A_164 = arith.constant 1 : i32
      %add3A_165 = arith.addi %add3A_119, %add3A_164 : i32
      %dma_start3A_166 = arith.constant 0 : i32
      %dma_start3A_167 = tpu.memref_slice %arg11[%add3A_165, %dma_start3A_166] : memref<256x32xf32, #tpu.memory_space<vmem>> -> memref<1x32xf32, #tpu.memory_space<vmem>>
      %dma_start3A_168 = arith.constant 0 : i32
      %dma_start3A_169 = tpu.memref_slice %arg3[%squeeze3A_163, %dma_start3A_168] : memref<1000000x32xf32, #tpu.memory_space<hbm>> -> memref<1x32xf32, #tpu.memory_space<hbm>>
      %dma_start3A_170 = arith.constant 0 : i32
      %dma_start3A_171 = tpu.memref_slice %arg11[%add3A_165, %dma_start3A_170] : memref<256x32xf32, #tpu.memory_space<vmem>> -> memref<1x32xf32, #tpu.memory_space<vmem>>
      %dma_start3A_172 = arith.constant 0 : i32
      %dma_start3A_173 = tpu.memref_slice %arg3[%squeeze3A_163, %dma_start3A_172] : memref<1000000x32xf32, #tpu.memory_space<hbm>> -> memref<1x32xf32, #tpu.memory_space<hbm>>
      tpu.enqueue_dma source(%dma_start3A_173 : memref<1x32xf32, #tpu.memory_space<hbm>>) target(%dma_start3A_171 : memref<1x32xf32, #tpu.memory_space<vmem>>) target_semaphore(%arg15 : memref<!tpu.dma_semaphore, #tpu.memory_space<semaphore_mem>>)
      %slice3A_174 = vector.extract_strided_slice %get3A_123 {offsets = [2], sizes = [1], strides = [1]} : vector<16xi32> to vector<1xi32>
      %squeeze3A_175 = vector.extract %slice3A_174[0] : i32 from vector<1xi32>
      %add3A_176 = arith.constant 2 : i32
      %add3A_177 = arith.addi %add3A_119, %add3A_176 : i32
      %dma_start3A_178 = arith.constant 0 : i32
      %dma_start3A_179 = tpu.memref_slice %arg10[%add3A_177, %dma_start3A_178] : memref<256x32xf32, #tpu.memory_space<vmem>> -> memref<1x32xf32, #tpu.memory_space<vmem>>
      %dma_start3A_180 = arith.constant 0 : i32
      %dma_start3A_181 = tpu.memref_slice %arg2[%squeeze3A_175, %dma_start3A_180] : memref<1000000x32xf32, #tpu.memory_space<hbm>> -> memref<1x32xf32, #tpu.memory_space<hbm>>
      %dma_start3A_182 = arith.constant 0 : i32
      %dma_start3A_183 = tpu.memref_slice %arg10[%add3A_177, %dma_start3A_182] : memref<256x32xf32, #tpu.memory_space<vmem>> -> memref<1x32xf32, #tpu.memory_space<vmem>>
      %dma_start3A_184 = arith.constant 0 : i32
      %dma_start3A_185 = tpu.memref_slice %arg2[%squeeze3A_175, %dma_start3A_184] : memref<1000000x32xf32, #tpu.memory_space<hbm>> -> memref<1x32xf32, #tpu.memory_space<hbm>>
      tpu.enqueue_dma source(%dma_start3A_185 : memref<1x32xf32, #tpu.memory_space<hbm>>) target(%dma_start3A_183 : memref<1x32xf32, #tpu.memory_space<vmem>>) target_semaphore(%arg12 : memref<!tpu.dma_semaphore, #tpu.memory_space<semaphore_mem>>)
      %slice3A_186 = vector.extract_strided_slice %get3A_128 {offsets = [2], sizes = [1], strides = [1]} : vector<16xi32> to vector<1xi32>
      %squeeze3A_187 = vector.extract %slice3A_186[0] : i32 from vector<1xi32>
      %add3A_188 = arith.constant 2 : i32
      %add3A_189 = arith.addi %add3A_119, %add3A_188 : i32
      %dma_start3A_190 = arith.constant 0 : i32
      %dma_start3A_191 = tpu.memref_slice %arg11[%add3A_189, %dma_start3A_190] : memref<256x32xf32, #tpu.memory_space<vmem>> -> memref<1x32xf32, #tpu.memory_space<vmem>>
      %dma_start3A_192 = arith.constant 0 : i32
      %dma_start3A_193 = tpu.memref_slice %arg3[%squeeze3A_187, %dma_start3A_192] : memref<1000000x32xf32, #tpu.memory_space<hbm>> -> memref<1x32xf32, #tpu.memory_space<hbm>>
      %dma_start3A_194 = arith.constant 0 : i32
      %dma_start3A_195 = tpu.memref_slice %arg11[%add3A_189, %dma_start3A_194] : memref<256x32xf32, #tpu.memory_space<vmem>> -> memref<1x32xf32, #tpu.memory_space<vmem>>
      %dma_start3A_196 = arith.constant 0 : i32
      %dma_start3A_197 = tpu.memref_slice %arg3[%squeeze3A_187, %dma_start3A_196] : memref<1000000x32xf32, #tpu.memory_space<hbm>> -> memref<1x32xf32, #tpu.memory_space<hbm>>
      tpu.enqueue_dma source(%dma_start3A_197 : memref<1x32xf32, #tpu.memory_space<hbm>>) target(%dma_start3A_195 : memref<1x32xf32, #tpu.memory_space<vmem>>) target_semaphore(%arg14 : memref<!tpu.dma_semaphore, #tpu.memory_space<semaphore_mem>>)
      %slice3A_198 = vector.extract_strided_slice %get3A_123 {offsets = [3], sizes = [1], strides = [1]} : vector<16xi32> to vector<1xi32>
      %squeeze3A_199 = vector.extract %slice3A_198[0] : i32 from vector<1xi32>
      %add3A_200 = arith.constant 3 : i32
      %add3A_201 = arith.addi %add3A_119, %add3A_200 : i32
      %dma_start3A_202 = arith.constant 0 : i32
      %dma_start3A_203 = tpu.memref_slice %arg10[%add3A_201, %dma_start3A_202] : memref<256x32xf32, #tpu.memory_space<vmem>> -> memref<1x32xf32, #tpu.memory_space<vmem>>
      %dma_start3A_204 = arith.constant 0 : i32
      %dma_start3A_205 = tpu.memref_slice %arg2[%squeeze3A_199, %dma_start3A_204] : memref<1000000x32xf32, #tpu.memory_space<hbm>> -> memref<1x32xf32, #tpu.memory_space<hbm>>
      %dma_start3A_206 = arith.constant 0 : i32
      %dma_start3A_207 = tpu.memref_slice %arg10[%add3A_201, %dma_start3A_206] : memref<256x32xf32, #tpu.memory_space<vmem>> -> memref<1x32xf32, #tpu.memory_space<vmem>>
      %dma_start3A_208 = arith.constant 0 : i32
      %dma_start3A_209 = tpu.memref_slice %arg2[%squeeze3A_199, %dma_start3A_208] : memref<1000000x32xf32, #tpu.memory_space<hbm>> -> memref<1x32xf32, #tpu.memory_space<hbm>>
      tpu.enqueue_dma source(%dma_start3A_209 : memref<1x32xf32, #tpu.memory_space<hbm>>) target(%dma_start3A_207 : memref<1x32xf32, #tpu.memory_space<vmem>>) target_semaphore(%arg13 : memref<!tpu.dma_semaphore, #tpu.memory_space<semaphore_mem>>)
      %slice3A_210 = vector.extract_strided_slice %get3A_128 {offsets = [3], sizes = [1], strides = [1]} : vector<16xi32> to vector<1xi32>
      %squeeze3A_211 = vector.extract %slice3A_210[0] : i32 from vector<1xi32>
      %add3A_212 = arith.constant 3 : i32
      %add3A_213 = arith.addi %add3A_119, %add3A_212 : i32
      %dma_start3A_214 = arith.constant 0 : i32
      %dma_start3A_215 = tpu.memref_slice %arg11[%add3A_213, %dma_start3A_214] : memref<256x32xf32, #tpu.memory_space<vmem>> -> memref<1x32xf32, #tpu.memory_space<vmem>>
      %dma_start3A_216 = arith.constant 0 : i32
      %dma_start3A_217 = tpu.memref_slice %arg3[%squeeze3A_211, %dma_start3A_216] : memref<1000000x32xf32, #tpu.memory_space<hbm>> -> memref<1x32xf32, #tpu.memory_space<hbm>>
      %dma_start3A_218 = arith.constant 0 : i32
      %dma_start3A_219 = tpu.memref_slice %arg11[%add3A_213, %dma_start3A_218] : memref<256x32xf32, #tpu.memory_space<vmem>> -> memref<1x32xf32, #tpu.memory_space<vmem>>
      %dma_start3A_220 = arith.constant 0 : i32
      %dma_start3A_221 = tpu.memref_slice %arg3[%squeeze3A_211, %dma_start3A_220] : memref<1000000x32xf32, #tpu.memory_space<hbm>> -> memref<1x32xf32, #tpu.memory_space<hbm>>
      tpu.enqueue_dma source(%dma_start3A_221 : memref<1x32xf32, #tpu.memory_space<hbm>>) target(%dma_start3A_219 : memref<1x32xf32, #tpu.memory_space<vmem>>) target_semaphore(%arg15 : memref<!tpu.dma_semaphore, #tpu.memory_space<semaphore_mem>>)
      %slice3A_222 = vector.extract_strided_slice %get3A_123 {offsets = [4], sizes = [1], strides = [1]} : vector<16xi32> to vector<1xi32>
      %squeeze3A_223 = vector.extract %slice3A_222[0] : i32 from vector<1xi32>
      %add3A_224 = arith.constant 4 : i32
      %add3A_225 = arith.addi %add3A_119, %add3A_224 : i32
      %dma_start3A_226 = arith.constant 0 : i32
      %dma_start3A_227 = tpu.memref_slice %arg10[%add3A_225, %dma_start3A_226] : memref<256x32xf32, #tpu.memory_space<vmem>> -> memref<1x32xf32, #tpu.memory_space<vmem>>
      %dma_start3A_228 = arith.constant 0 : i32
      %dma_start3A_229 = tpu.memref_slice %arg2[%squeeze3A_223, %dma_start3A_228] : memref<1000000x32xf32, #tpu.memory_space<hbm>> -> memref<1x32xf32, #tpu.memory_space<hbm>>
      %dma_start3A_230 = arith.constant 0 : i32
      %dma_start3A_231 = tpu.memref_slice %arg10[%add3A_225, %dma_start3A_230] : memref<256x32xf32, #tpu.memory_space<vmem>> -> memref<1x32xf32, #tpu.memory_space<vmem>>
      %dma_start3A_232 = arith.constant 0 : i32
      %dma_start3A_233 = tpu.memref_slice %arg2[%squeeze3A_223, %dma_start3A_232] : memref<1000000x32xf32, #tpu.memory_space<hbm>> -> memref<1x32xf32, #tpu.memory_space<hbm>>
      tpu.enqueue_dma source(%dma_start3A_233 : memref<1x32xf32, #tpu.memory_space<hbm>>) target(%dma_start3A_231 : memref<1x32xf32, #tpu.memory_space<vmem>>) target_semaphore(%arg12 : memref<!tpu.dma_semaphore, #tpu.memory_space<semaphore_mem>>)
      %slice3A_234 = vector.extract_strided_slice %get3A_128 {offsets = [4], sizes = [1], strides = [1]} : vector<16xi32> to vector<1xi32>
      %squeeze3A_235 = vector.extract %slice3A_234[0] : i32 from vector<1xi32>
      %add3A_236 = arith.constant 4 : i32
      %add3A_237 = arith.addi %add3A_119, %add3A_236 : i32
      %dma_start3A_238 = arith.constant 0 : i32
      %dma_start3A_239 = tpu.memref_slice %arg11[%add3A_237, %dma_start3A_238] : memref<256x32xf32, #tpu.memory_space<vmem>> -> memref<1x32xf32, #tpu.memory_space<vmem>>
      %dma_start3A_240 = arith.constant 0 : i32
      %dma_start3A_241 = tpu.memref_slice %arg3[%squeeze3A_235, %dma_start3A_240] : memref<1000000x32xf32, #tpu.memory_space<hbm>> -> memref<1x32xf32, #tpu.memory_space<hbm>>
      %dma_start3A_242 = arith.constant 0 : i32
      %dma_start3A_243 = tpu.memref_slice %arg11[%add3A_237, %dma_start3A_242] : memref<256x32xf32, #tpu.memory_space<vmem>> -> memref<1x32xf32, #tpu.memory_space<vmem>>
      %dma_start3A_244 = arith.constant 0 : i32
      %dma_start3A_245 = tpu.memref_slice %arg3[%squeeze3A_235, %dma_start3A_244] : memref<1000000x32xf32, #tpu.memory_space<hbm>> -> memref<1x32xf32, #tpu.memory_space<hbm>>
      tpu.enqueue_dma source(%dma_start3A_245 : memref<1x32xf32, #tpu.memory_space<hbm>>) target(%dma_start3A_243 : memref<1x32xf32, #tpu.memory_space<vmem>>) target_semaphore(%arg14 : memref<!tpu.dma_semaphore, #tpu.memory_space<semaphore_mem>>)
      %slice3A_246 = vector.extract_strided_slice %get3A_123 {offsets = [5], sizes = [1], strides = [1]} : vector<16xi32> to vector<1xi32>
      %squeeze3A_247 = vector.extract %slice3A_246[0] : i32 from vector<1xi32>
      %add3A_248 = arith.constant 5 : i32
      %add3A_249 = arith.addi %add3A_119, %add3A_248 : i32
      %dma_start3A_250 = arith.constant 0 : i32
      %dma_start3A_251 = tpu.memref_slice %arg10[%add3A_249, %dma_start3A_250] : memref<256x32xf32, #tpu.memory_space<vmem>> -> memref<1x32xf32, #tpu.memory_space<vmem>>
      %dma_start3A_252 = arith.constant 0 : i32
      %dma_start3A_253 = tpu.memref_slice %arg2[%squeeze3A_247, %dma_start3A_252] : memref<1000000x32xf32, #tpu.memory_space<hbm>> -> memref<1x32xf32, #tpu.memory_space<hbm>>
      %dma_start3A_254 = arith.constant 0 : i32
      %dma_start3A_255 = tpu.memref_slice %arg10[%add3A_249, %dma_start3A_254] : memref<256x32xf32, #tpu.memory_space<vmem>> -> memref<1x32xf32, #tpu.memory_space<vmem>>
      %dma_start3A_256 = arith.constant 0 : i32
      %dma_start3A_257 = tpu.memref_slice %arg2[%squeeze3A_247, %dma_start3A_256] : memref<1000000x32xf32, #tpu.memory_space<hbm>> -> memref<1x32xf32, #tpu.memory_space<hbm>>
      tpu.enqueue_dma source(%dma_start3A_257 : memref<1x32xf32, #tpu.memory_space<hbm>>) target(%dma_start3A_255 : memref<1x32xf32, #tpu.memory_space<vmem>>) target_semaphore(%arg13 : memref<!tpu.dma_semaphore, #tpu.memory_space<semaphore_mem>>)
      %slice3A_258 = vector.extract_strided_slice %get3A_128 {offsets = [5], sizes = [1], strides = [1]} : vector<16xi32> to vector<1xi32>
      %squeeze3A_259 = vector.extract %slice3A_258[0] : i32 from vector<1xi32>
      %add3A_260 = arith.constant 5 : i32
      %add3A_261 = arith.addi %add3A_119, %add3A_260 : i32
      %dma_start3A_262 = arith.constant 0 : i32
      %dma_start3A_263 = tpu.memref_slice %arg11[%add3A_261, %dma_start3A_262] : memref<256x32xf32, #tpu.memory_space<vmem>> -> memref<1x32xf32, #tpu.memory_space<vmem>>
      %dma_start3A_264 = arith.constant 0 : i32
      %dma_start3A_265 = tpu.memref_slice %arg3[%squeeze3A_259, %dma_start3A_264] : memref<1000000x32xf32, #tpu.memory_space<hbm>> -> memref<1x32xf32, #tpu.memory_space<hbm>>
      %dma_start3A_266 = arith.constant 0 : i32
      %dma_start3A_267 = tpu.memref_slice %arg11[%add3A_261, %dma_start3A_266] : memref<256x32xf32, #tpu.memory_space<vmem>> -> memref<1x32xf32, #tpu.memory_space<vmem>>
      %dma_start3A_268 = arith.constant 0 : i32
      %dma_start3A_269 = tpu.memref_slice %arg3[%squeeze3A_259, %dma_start3A_268] : memref<1000000x32xf32, #tpu.memory_space<hbm>> -> memref<1x32xf32, #tpu.memory_space<hbm>>
      tpu.enqueue_dma source(%dma_start3A_269 : memref<1x32xf32, #tpu.memory_space<hbm>>) target(%dma_start3A_267 : memref<1x32xf32, #tpu.memory_space<vmem>>) target_semaphore(%arg15 : memref<!tpu.dma_semaphore, #tpu.memory_space<semaphore_mem>>)
      %slice3A_270 = vector.extract_strided_slice %get3A_123 {offsets = [6], sizes = [1], strides = [1]} : vector<16xi32> to vector<1xi32>
      %squeeze3A_271 = vector.extract %slice3A_270[0] : i32 from vector<1xi32>
      %add3A_272 = arith.constant 6 : i32
      %add3A_273 = arith.addi %add3A_119, %add3A_272 : i32
      %dma_start3A_274 = arith.constant 0 : i32
      %dma_start3A_275 = tpu.memref_slice %arg10[%add3A_273, %dma_start3A_274] : memref<256x32xf32, #tpu.memory_space<vmem>> -> memref<1x32xf32, #tpu.memory_space<vmem>>
      %dma_start3A_276 = arith.constant 0 : i32
      %dma_start3A_277 = tpu.memref_slice %arg2[%squeeze3A_271, %dma_start3A_276] : memref<1000000x32xf32, #tpu.memory_space<hbm>> -> memref<1x32xf32, #tpu.memory_space<hbm>>
      %dma_start3A_278 = arith.constant 0 : i32
      %dma_start3A_279 = tpu.memref_slice %arg10[%add3A_273, %dma_start3A_278] : memref<256x32xf32, #tpu.memory_space<vmem>> -> memref<1x32xf32, #tpu.memory_space<vmem>>
      %dma_start3A_280 = arith.constant 0 : i32
      %dma_start3A_281 = tpu.memref_slice %arg2[%squeeze3A_271, %dma_start3A_280] : memref<1000000x32xf32, #tpu.memory_space<hbm>> -> memref<1x32xf32, #tpu.memory_space<hbm>>
      tpu.enqueue_dma source(%dma_start3A_281 : memref<1x32xf32, #tpu.memory_space<hbm>>) target(%dma_start3A_279 : memref<1x32xf32, #tpu.memory_space<vmem>>) target_semaphore(%arg12 : memref<!tpu.dma_semaphore, #tpu.memory_space<semaphore_mem>>)
      %slice3A_282 = vector.extract_strided_slice %get3A_128 {offsets = [6], sizes = [1], strides = [1]} : vector<16xi32> to vector<1xi32>
      %squeeze3A_283 = vector.extract %slice3A_282[0] : i32 from vector<1xi32>
      %add3A_284 = arith.constant 6 : i32
      %add3A_285 = arith.addi %add3A_119, %add3A_284 : i32
      %dma_start3A_286 = arith.constant 0 : i32
      %dma_start3A_287 = tpu.memref_slice %arg11[%add3A_285, %dma_start3A_286] : memref<256x32xf32, #tpu.memory_space<vmem>> -> memref<1x32xf32, #tpu.memory_space<vmem>>
      %dma_start3A_288 = arith.constant 0 : i32
      %dma_start3A_289 = tpu.memref_slice %arg3[%squeeze3A_283, %dma_start3A_288] : memref<1000000x32xf32, #tpu.memory_space<hbm>> -> memref<1x32xf32, #tpu.memory_space<hbm>>
      %dma_start3A_290 = arith.constant 0 : i32
      %dma_start3A_291 = tpu.memref_slice %arg11[%add3A_285, %dma_start3A_290] : memref<256x32xf32, #tpu.memory_space<vmem>> -> memref<1x32xf32, #tpu.memory_space<vmem>>
      %dma_start3A_292 = arith.constant 0 : i32
      %dma_start3A_293 = tpu.memref_slice %arg3[%squeeze3A_283, %dma_start3A_292] : memref<1000000x32xf32, #tpu.memory_space<hbm>> -> memref<1x32xf32, #tpu.memory_space<hbm>>
      tpu.enqueue_dma source(%dma_start3A_293 : memref<1x32xf32, #tpu.memory_space<hbm>>) target(%dma_start3A_291 : memref<1x32xf32, #tpu.memory_space<vmem>>) target_semaphore(%arg14 : memref<!tpu.dma_semaphore, #tpu.memory_space<semaphore_mem>>)
      %slice3A_294 = vector.extract_strided_slice %get3A_123 {offsets = [7], sizes = [1], strides = [1]} : vector<16xi32> to vector<1xi32>
      %squeeze3A_295 = vector.extract %slice3A_294[0] : i32 from vector<1xi32>
      %add3A_296 = arith.constant 7 : i32
      %add3A_297 = arith.addi %add3A_119, %add3A_296 : i32
      %dma_start3A_298 = arith.constant 0 : i32
      %dma_start3A_299 = tpu.memref_slice %arg10[%add3A_297, %dma_start3A_298] : memref<256x32xf32, #tpu.memory_space<vmem>> -> memref<1x32xf32, #tpu.memory_space<vmem>>
      %dma_start3A_300 = arith.constant 0 : i32
      %dma_start3A_301 = tpu.memref_slice %arg2[%squeeze3A_295, %dma_start3A_300] : memref<1000000x32xf32, #tpu.memory_space<hbm>> -> memref<1x32xf32, #tpu.memory_space<hbm>>
      %dma_start3A_302 = arith.constant 0 : i32
      %dma_start3A_303 = tpu.memref_slice %arg10[%add3A_297, %dma_start3A_302] : memref<256x32xf32, #tpu.memory_space<vmem>> -> memref<1x32xf32, #tpu.memory_space<vmem>>
      %dma_start3A_304 = arith.constant 0 : i32
      %dma_start3A_305 = tpu.memref_slice %arg2[%squeeze3A_295, %dma_start3A_304] : memref<1000000x32xf32, #tpu.memory_space<hbm>> -> memref<1x32xf32, #tpu.memory_space<hbm>>
      tpu.enqueue_dma source(%dma_start3A_305 : memref<1x32xf32, #tpu.memory_space<hbm>>) target(%dma_start3A_303 : memref<1x32xf32, #tpu.memory_space<vmem>>) target_semaphore(%arg13 : memref<!tpu.dma_semaphore, #tpu.memory_space<semaphore_mem>>)
      %slice3A_306 = vector.extract_strided_slice %get3A_128 {offsets = [7], sizes = [1], strides = [1]} : vector<16xi32> to vector<1xi32>
      %squeeze3A_307 = vector.extract %slice3A_306[0] : i32 from vector<1xi32>
      %add3A_308 = arith.constant 7 : i32
      %add3A_309 = arith.addi %add3A_119, %add3A_308 : i32
      %dma_start3A_310 = arith.constant 0 : i32
      %dma_start3A_311 = tpu.memref_slice %arg11[%add3A_309, %dma_start3A_310] : memref<256x32xf32, #tpu.memory_space<vmem>> -> memref<1x32xf32, #tpu.memory_space<vmem>>
      %dma_start3A_312 = arith.constant 0 : i32
      %dma_start3A_313 = tpu.memref_slice %arg3[%squeeze3A_307, %dma_start3A_312] : memref<1000000x32xf32, #tpu.memory_space<hbm>> -> memref<1x32xf32, #tpu.memory_space<hbm>>
      %dma_start3A_314 = arith.constant 0 : i32
      %dma_start3A_315 = tpu.memref_slice %arg11[%add3A_309, %dma_start3A_314] : memref<256x32xf32, #tpu.memory_space<vmem>> -> memref<1x32xf32, #tpu.memory_space<vmem>>
      %dma_start3A_316 = arith.constant 0 : i32
      %dma_start3A_317 = tpu.memref_slice %arg3[%squeeze3A_307, %dma_start3A_316] : memref<1000000x32xf32, #tpu.memory_space<hbm>> -> memref<1x32xf32, #tpu.memory_space<hbm>>
      tpu.enqueue_dma source(%dma_start3A_317 : memref<1x32xf32, #tpu.memory_space<hbm>>) target(%dma_start3A_315 : memref<1x32xf32, #tpu.memory_space<vmem>>) target_semaphore(%arg15 : memref<!tpu.dma_semaphore, #tpu.memory_space<semaphore_mem>>)
      %slice3A_318 = vector.extract_strided_slice %get3A_123 {offsets = [8], sizes = [1], strides = [1]} : vector<16xi32> to vector<1xi32>
      %squeeze3A_319 = vector.extract %slice3A_318[0] : i32 from vector<1xi32>
      %add3A_320 = arith.constant 8 : i32
      %add3A_321 = arith.addi %add3A_119, %add3A_320 : i32
      %dma_start3A_322 = arith.constant 0 : i32
      %dma_start3A_323 = tpu.memref_slice %arg10[%add3A_321, %dma_start3A_322] : memref<256x32xf32, #tpu.memory_space<vmem>> -> memref<1x32xf32, #tpu.memory_space<vmem>>
      %dma_start3A_324 = arith.constant 0 : i32
      %dma_start3A_325 = tpu.memref_slice %arg2[%squeeze3A_319, %dma_start3A_324] : memref<1000000x32xf32, #tpu.memory_space<hbm>> -> memref<1x32xf32, #tpu.memory_space<hbm>>
      %dma_start3A_326 = arith.constant 0 : i32
      %dma_start3A_327 = tpu.memref_slice %arg10[%add3A_321, %dma_start3A_326] : memref<256x32xf32, #tpu.memory_space<vmem>> -> memref<1x32xf32, #tpu.memory_space<vmem>>
      %dma_start3A_328 = arith.constant 0 : i32
      %dma_start3A_329 = tpu.memref_slice %arg2[%squeeze3A_319, %dma_start3A_328] : memref<1000000x32xf32, #tpu.memory_space<hbm>> -> memref<1x32xf32, #tpu.memory_space<hbm>>
      tpu.enqueue_dma source(%dma_start3A_329 : memref<1x32xf32, #tpu.memory_space<hbm>>) target(%dma_start3A_327 : memref<1x32xf32, #tpu.memory_space<vmem>>) target_semaphore(%arg12 : memref<!tpu.dma_semaphore, #tpu.memory_space<semaphore_mem>>)
      %slice3A_330 = vector.extract_strided_slice %get3A_128 {offsets = [8], sizes = [1], strides = [1]} : vector<16xi32> to vector<1xi32>
      %squeeze3A_331 = vector.extract %slice3A_330[0] : i32 from vector<1xi32>
      %add3A_332 = arith.constant 8 : i32
      %add3A_333 = arith.addi %add3A_119, %add3A_332 : i32
      %dma_start3A_334 = arith.constant 0 : i32
      %dma_start3A_335 = tpu.memref_slice %arg11[%add3A_333, %dma_start3A_334] : memref<256x32xf32, #tpu.memory_space<vmem>> -> memref<1x32xf32, #tpu.memory_space<vmem>>
      %dma_start3A_336 = arith.constant 0 : i32
      %dma_start3A_337 = tpu.memref_slice %arg3[%squeeze3A_331, %dma_start3A_336] : memref<1000000x32xf32, #tpu.memory_space<hbm>> -> memref<1x32xf32, #tpu.memory_space<hbm>>
      %dma_start3A_338 = arith.constant 0 : i32
      %dma_start3A_339 = tpu.memref_slice %arg11[%add3A_333, %dma_start3A_338] : memref<256x32xf32, #tpu.memory_space<vmem>> -> memref<1x32xf32, #tpu.memory_space<vmem>>
      %dma_start3A_340 = arith.constant 0 : i32
      %dma_start3A_341 = tpu.memref_slice %arg3[%squeeze3A_331, %dma_start3A_340] : memref<1000000x32xf32, #tpu.memory_space<hbm>> -> memref<1x32xf32, #tpu.memory_space<hbm>>
      tpu.enqueue_dma source(%dma_start3A_341 : memref<1x32xf32, #tpu.memory_space<hbm>>) target(%dma_start3A_339 : memref<1x32xf32, #tpu.memory_space<vmem>>) target_semaphore(%arg14 : memref<!tpu.dma_semaphore, #tpu.memory_space<semaphore_mem>>)
      %slice3A_342 = vector.extract_strided_slice %get3A_123 {offsets = [9], sizes = [1], strides = [1]} : vector<16xi32> to vector<1xi32>
      %squeeze3A_343 = vector.extract %slice3A_342[0] : i32 from vector<1xi32>
      %add3A_344 = arith.constant 9 : i32
      %add3A_345 = arith.addi %add3A_119, %add3A_344 : i32
      %dma_start3A_346 = arith.constant 0 : i32
      %dma_start3A_347 = tpu.memref_slice %arg10[%add3A_345, %dma_start3A_346] : memref<256x32xf32, #tpu.memory_space<vmem>> -> memref<1x32xf32, #tpu.memory_space<vmem>>
      %dma_start3A_348 = arith.constant 0 : i32
      %dma_start3A_349 = tpu.memref_slice %arg2[%squeeze3A_343, %dma_start3A_348] : memref<1000000x32xf32, #tpu.memory_space<hbm>> -> memref<1x32xf32, #tpu.memory_space<hbm>>
      %dma_start3A_350 = arith.constant 0 : i32
      %dma_start3A_351 = tpu.memref_slice %arg10[%add3A_345, %dma_start3A_350] : memref<256x32xf32, #tpu.memory_space<vmem>> -> memref<1x32xf32, #tpu.memory_space<vmem>>
      %dma_start3A_352 = arith.constant 0 : i32
      %dma_start3A_353 = tpu.memref_slice %arg2[%squeeze3A_343, %dma_start3A_352] : memref<1000000x32xf32, #tpu.memory_space<hbm>> -> memref<1x32xf32, #tpu.memory_space<hbm>>
      tpu.enqueue_dma source(%dma_start3A_353 : memref<1x32xf32, #tpu.memory_space<hbm>>) target(%dma_start3A_351 : memref<1x32xf32, #tpu.memory_space<vmem>>) target_semaphore(%arg13 : memref<!tpu.dma_semaphore, #tpu.memory_space<semaphore_mem>>)
      %slice3A_354 = vector.extract_strided_slice %get3A_128 {offsets = [9], sizes = [1], strides = [1]} : vector<16xi32> to vector<1xi32>
      %squeeze3A_355 = vector.extract %slice3A_354[0] : i32 from vector<1xi32>
      %add3A_356 = arith.constant 9 : i32
      %add3A_357 = arith.addi %add3A_119, %add3A_356 : i32
      %dma_start3A_358 = arith.constant 0 : i32
      %dma_start3A_359 = tpu.memref_slice %arg11[%add3A_357, %dma_start3A_358] : memref<256x32xf32, #tpu.memory_space<vmem>> -> memref<1x32xf32, #tpu.memory_space<vmem>>
      %dma_start3A_360 = arith.constant 0 : i32
      %dma_start3A_361 = tpu.memref_slice %arg3[%squeeze3A_355, %dma_start3A_360] : memref<1000000x32xf32, #tpu.memory_space<hbm>> -> memref<1x32xf32, #tpu.memory_space<hbm>>
      %dma_start3A_362 = arith.constant 0 : i32
      %dma_start3A_363 = tpu.memref_slice %arg11[%add3A_357, %dma_start3A_362] : memref<256x32xf32, #tpu.memory_space<vmem>> -> memref<1x32xf32, #tpu.memory_space<vmem>>
      %dma_start3A_364 = arith.constant 0 : i32
      %dma_start3A_365 = tpu.memref_slice %arg3[%squeeze3A_355, %dma_start3A_364] : memref<1000000x32xf32, #tpu.memory_space<hbm>> -> memref<1x32xf32, #tpu.memory_space<hbm>>
      tpu.enqueue_dma source(%dma_start3A_365 : memref<1x32xf32, #tpu.memory_space<hbm>>) target(%dma_start3A_363 : memref<1x32xf32, #tpu.memory_space<vmem>>) target_semaphore(%arg15 : memref<!tpu.dma_semaphore, #tpu.memory_space<semaphore_mem>>)
      %slice3A_366 = vector.extract_strided_slice %get3A_123 {offsets = [10], sizes = [1], strides = [1]} : vector<16xi32> to vector<1xi32>
      %squeeze3A_367 = vector.extract %slice3A_366[0] : i32 from vector<1xi32>
      %add3A_368 = arith.constant 10 : i32
      %add3A_369 = arith.addi %add3A_119, %add3A_368 : i32
      %dma_start3A_370 = arith.constant 0 : i32
      %dma_start3A_371 = tpu.memref_slice %arg10[%add3A_369, %dma_start3A_370] : memref<256x32xf32, #tpu.memory_space<vmem>> -> memref<1x32xf32, #tpu.memory_space<vmem>>
      %dma_start3A_372 = arith.constant 0 : i32
      %dma_start3A_373 = tpu.memref_slice %arg2[%squeeze3A_367, %dma_start3A_372] : memref<1000000x32xf32, #tpu.memory_space<hbm>> -> memref<1x32xf32, #tpu.memory_space<hbm>>
      %dma_start3A_374 = arith.constant 0 : i32
      %dma_start3A_375 = tpu.memref_slice %arg10[%add3A_369, %dma_start3A_374] : memref<256x32xf32, #tpu.memory_space<vmem>> -> memref<1x32xf32, #tpu.memory_space<vmem>>
      %dma_start3A_376 = arith.constant 0 : i32
      %dma_start3A_377 = tpu.memref_slice %arg2[%squeeze3A_367, %dma_start3A_376] : memref<1000000x32xf32, #tpu.memory_space<hbm>> -> memref<1x32xf32, #tpu.memory_space<hbm>>
      tpu.enqueue_dma source(%dma_start3A_377 : memref<1x32xf32, #tpu.memory_space<hbm>>) target(%dma_start3A_375 : memref<1x32xf32, #tpu.memory_space<vmem>>) target_semaphore(%arg12 : memref<!tpu.dma_semaphore, #tpu.memory_space<semaphore_mem>>)
      %slice3A_378 = vector.extract_strided_slice %get3A_128 {offsets = [10], sizes = [1], strides = [1]} : vector<16xi32> to vector<1xi32>
      %squeeze3A_379 = vector.extract %slice3A_378[0] : i32 from vector<1xi32>
      %add3A_380 = arith.constant 10 : i32
      %add3A_381 = arith.addi %add3A_119, %add3A_380 : i32
      %dma_start3A_382 = arith.constant 0 : i32
      %dma_start3A_383 = tpu.memref_slice %arg11[%add3A_381, %dma_start3A_382] : memref<256x32xf32, #tpu.memory_space<vmem>> -> memref<1x32xf32, #tpu.memory_space<vmem>>
      %dma_start3A_384 = arith.constant 0 : i32
      %dma_start3A_385 = tpu.memref_slice %arg3[%squeeze3A_379, %dma_start3A_384] : memref<1000000x32xf32, #tpu.memory_space<hbm>> -> memref<1x32xf32, #tpu.memory_space<hbm>>
      %dma_start3A_386 = arith.constant 0 : i32
      %dma_start3A_387 = tpu.memref_slice %arg11[%add3A_381, %dma_start3A_386] : memref<256x32xf32, #tpu.memory_space<vmem>> -> memref<1x32xf32, #tpu.memory_space<vmem>>
      %dma_start3A_388 = arith.constant 0 : i32
      %dma_start3A_389 = tpu.memref_slice %arg3[%squeeze3A_379, %dma_start3A_388] : memref<1000000x32xf32, #tpu.memory_space<hbm>> -> memref<1x32xf32, #tpu.memory_space<hbm>>
      tpu.enqueue_dma source(%dma_start3A_389 : memref<1x32xf32, #tpu.memory_space<hbm>>) target(%dma_start3A_387 : memref<1x32xf32, #tpu.memory_space<vmem>>) target_semaphore(%arg14 : memref<!tpu.dma_semaphore, #tpu.memory_space<semaphore_mem>>)
      %slice3A_390 = vector.extract_strided_slice %get3A_123 {offsets = [11], sizes = [1], strides = [1]} : vector<16xi32> to vector<1xi32>
      %squeeze3A_391 = vector.extract %slice3A_390[0] : i32 from vector<1xi32>
      %add3A_392 = arith.constant 11 : i32
      %add3A_393 = arith.addi %add3A_119, %add3A_392 : i32
      %dma_start3A_394 = arith.constant 0 : i32
      %dma_start3A_395 = tpu.memref_slice %arg10[%add3A_393, %dma_start3A_394] : memref<256x32xf32, #tpu.memory_space<vmem>> -> memref<1x32xf32, #tpu.memory_space<vmem>>
      %dma_start3A_396 = arith.constant 0 : i32
      %dma_start3A_397 = tpu.memref_slice %arg2[%squeeze3A_391, %dma_start3A_396] : memref<1000000x32xf32, #tpu.memory_space<hbm>> -> memref<1x32xf32, #tpu.memory_space<hbm>>
      %dma_start3A_398 = arith.constant 0 : i32
      %dma_start3A_399 = tpu.memref_slice %arg10[%add3A_393, %dma_start3A_398] : memref<256x32xf32, #tpu.memory_space<vmem>> -> memref<1x32xf32, #tpu.memory_space<vmem>>
      %dma_start3A_400 = arith.constant 0 : i32
      %dma_start3A_401 = tpu.memref_slice %arg2[%squeeze3A_391, %dma_start3A_400] : memref<1000000x32xf32, #tpu.memory_space<hbm>> -> memref<1x32xf32, #tpu.memory_space<hbm>>
      tpu.enqueue_dma source(%dma_start3A_401 : memref<1x32xf32, #tpu.memory_space<hbm>>) target(%dma_start3A_399 : memref<1x32xf32, #tpu.memory_space<vmem>>) target_semaphore(%arg13 : memref<!tpu.dma_semaphore, #tpu.memory_space<semaphore_mem>>)
      %slice3A_402 = vector.extract_strided_slice %get3A_128 {offsets = [11], sizes = [1], strides = [1]} : vector<16xi32> to vector<1xi32>
      %squeeze3A_403 = vector.extract %slice3A_402[0] : i32 from vector<1xi32>
      %add3A_404 = arith.constant 11 : i32
      %add3A_405 = arith.addi %add3A_119, %add3A_404 : i32
      %dma_start3A_406 = arith.constant 0 : i32
      %dma_start3A_407 = tpu.memref_slice %arg11[%add3A_405, %dma_start3A_406] : memref<256x32xf32, #tpu.memory_space<vmem>> -> memref<1x32xf32, #tpu.memory_space<vmem>>
      %dma_start3A_408 = arith.constant 0 : i32
      %dma_start3A_409 = tpu.memref_slice %arg3[%squeeze3A_403, %dma_start3A_408] : memref<1000000x32xf32, #tpu.memory_space<hbm>> -> memref<1x32xf32, #tpu.memory_space<hbm>>
      %dma_start3A_410 = arith.constant 0 : i32
      %dma_start3A_411 = tpu.memref_slice %arg11[%add3A_405, %dma_start3A_410] : memref<256x32xf32, #tpu.memory_space<vmem>> -> memref<1x32xf32, #tpu.memory_space<vmem>>
      %dma_start3A_412 = arith.constant 0 : i32
      %dma_start3A_413 = tpu.memref_slice %arg3[%squeeze3A_403, %dma_start3A_412] : memref<1000000x32xf32, #tpu.memory_space<hbm>> -> memref<1x32xf32, #tpu.memory_space<hbm>>
      tpu.enqueue_dma source(%dma_start3A_413 : memref<1x32xf32, #tpu.memory_space<hbm>>) target(%dma_start3A_411 : memref<1x32xf32, #tpu.memory_space<vmem>>) target_semaphore(%arg15 : memref<!tpu.dma_semaphore, #tpu.memory_space<semaphore_mem>>)
      %slice3A_414 = vector.extract_strided_slice %get3A_123 {offsets = [12], sizes = [1], strides = [1]} : vector<16xi32> to vector<1xi32>
      %squeeze3A_415 = vector.extract %slice3A_414[0] : i32 from vector<1xi32>
      %add3A_416 = arith.constant 12 : i32
      %add3A_417 = arith.addi %add3A_119, %add3A_416 : i32
      %dma_start3A_418 = arith.constant 0 : i32
      %dma_start3A_419 = tpu.memref_slice %arg10[%add3A_417, %dma_start3A_418] : memref<256x32xf32, #tpu.memory_space<vmem>> -> memref<1x32xf32, #tpu.memory_space<vmem>>
      %dma_start3A_420 = arith.constant 0 : i32
      %dma_start3A_421 = tpu.memref_slice %arg2[%squeeze3A_415, %dma_start3A_420] : memref<1000000x32xf32, #tpu.memory_space<hbm>> -> memref<1x32xf32, #tpu.memory_space<hbm>>
      %dma_start3A_422 = arith.constant 0 : i32
      %dma_start3A_423 = tpu.memref_slice %arg10[%add3A_417, %dma_start3A_422] : memref<256x32xf32, #tpu.memory_space<vmem>> -> memref<1x32xf32, #tpu.memory_space<vmem>>
      %dma_start3A_424 = arith.constant 0 : i32
      %dma_start3A_425 = tpu.memref_slice %arg2[%squeeze3A_415, %dma_start3A_424] : memref<1000000x32xf32, #tpu.memory_space<hbm>> -> memref<1x32xf32, #tpu.memory_space<hbm>>
      tpu.enqueue_dma source(%dma_start3A_425 : memref<1x32xf32, #tpu.memory_space<hbm>>) target(%dma_start3A_423 : memref<1x32xf32, #tpu.memory_space<vmem>>) target_semaphore(%arg12 : memref<!tpu.dma_semaphore, #tpu.memory_space<semaphore_mem>>)
      %slice3A_426 = vector.extract_strided_slice %get3A_128 {offsets = [12], sizes = [1], strides = [1]} : vector<16xi32> to vector<1xi32>
      %squeeze3A_427 = vector.extract %slice3A_426[0] : i32 from vector<1xi32>
      %add3A_428 = arith.constant 12 : i32
      %add3A_429 = arith.addi %add3A_119, %add3A_428 : i32
      %dma_start3A_430 = arith.constant 0 : i32
      %dma_start3A_431 = tpu.memref_slice %arg11[%add3A_429, %dma_start3A_430] : memref<256x32xf32, #tpu.memory_space<vmem>> -> memref<1x32xf32, #tpu.memory_space<vmem>>
      %dma_start3A_432 = arith.constant 0 : i32
      %dma_start3A_433 = tpu.memref_slice %arg3[%squeeze3A_427, %dma_start3A_432] : memref<1000000x32xf32, #tpu.memory_space<hbm>> -> memref<1x32xf32, #tpu.memory_space<hbm>>
      %dma_start3A_434 = arith.constant 0 : i32
      %dma_start3A_435 = tpu.memref_slice %arg11[%add3A_429, %dma_start3A_434] : memref<256x32xf32, #tpu.memory_space<vmem>> -> memref<1x32xf32, #tpu.memory_space<vmem>>
      %dma_start3A_436 = arith.constant 0 : i32
      %dma_start3A_437 = tpu.memref_slice %arg3[%squeeze3A_427, %dma_start3A_436] : memref<1000000x32xf32, #tpu.memory_space<hbm>> -> memref<1x32xf32, #tpu.memory_space<hbm>>
      tpu.enqueue_dma source(%dma_start3A_437 : memref<1x32xf32, #tpu.memory_space<hbm>>) target(%dma_start3A_435 : memref<1x32xf32, #tpu.memory_space<vmem>>) target_semaphore(%arg14 : memref<!tpu.dma_semaphore, #tpu.memory_space<semaphore_mem>>)
      %slice3A_438 = vector.extract_strided_slice %get3A_123 {offsets = [13], sizes = [1], strides = [1]} : vector<16xi32> to vector<1xi32>
      %squeeze3A_439 = vector.extract %slice3A_438[0] : i32 from vector<1xi32>
      %add3A_440 = arith.constant 13 : i32
      %add3A_441 = arith.addi %add3A_119, %add3A_440 : i32
      %dma_start3A_442 = arith.constant 0 : i32
      %dma_start3A_443 = tpu.memref_slice %arg10[%add3A_441, %dma_start3A_442] : memref<256x32xf32, #tpu.memory_space<vmem>> -> memref<1x32xf32, #tpu.memory_space<vmem>>
      %dma_start3A_444 = arith.constant 0 : i32
      %dma_start3A_445 = tpu.memref_slice %arg2[%squeeze3A_439, %dma_start3A_444] : memref<1000000x32xf32, #tpu.memory_space<hbm>> -> memref<1x32xf32, #tpu.memory_space<hbm>>
      %dma_start3A_446 = arith.constant 0 : i32
      %dma_start3A_447 = tpu.memref_slice %arg10[%add3A_441, %dma_start3A_446] : memref<256x32xf32, #tpu.memory_space<vmem>> -> memref<1x32xf32, #tpu.memory_space<vmem>>
      %dma_start3A_448 = arith.constant 0 : i32
      %dma_start3A_449 = tpu.memref_slice %arg2[%squeeze3A_439, %dma_start3A_448] : memref<1000000x32xf32, #tpu.memory_space<hbm>> -> memref<1x32xf32, #tpu.memory_space<hbm>>
      tpu.enqueue_dma source(%dma_start3A_449 : memref<1x32xf32, #tpu.memory_space<hbm>>) target(%dma_start3A_447 : memref<1x32xf32, #tpu.memory_space<vmem>>) target_semaphore(%arg13 : memref<!tpu.dma_semaphore, #tpu.memory_space<semaphore_mem>>)
      %slice3A_450 = vector.extract_strided_slice %get3A_128 {offsets = [13], sizes = [1], strides = [1]} : vector<16xi32> to vector<1xi32>
      %squeeze3A_451 = vector.extract %slice3A_450[0] : i32 from vector<1xi32>
      %add3A_452 = arith.constant 13 : i32
      %add3A_453 = arith.addi %add3A_119, %add3A_452 : i32
      %dma_start3A_454 = arith.constant 0 : i32
      %dma_start3A_455 = tpu.memref_slice %arg11[%add3A_453, %dma_start3A_454] : memref<256x32xf32, #tpu.memory_space<vmem>> -> memref<1x32xf32, #tpu.memory_space<vmem>>
      %dma_start3A_456 = arith.constant 0 : i32
      %dma_start3A_457 = tpu.memref_slice %arg3[%squeeze3A_451, %dma_start3A_456] : memref<1000000x32xf32, #tpu.memory_space<hbm>> -> memref<1x32xf32, #tpu.memory_space<hbm>>
      %dma_start3A_458 = arith.constant 0 : i32
      %dma_start3A_459 = tpu.memref_slice %arg11[%add3A_453, %dma_start3A_458] : memref<256x32xf32, #tpu.memory_space<vmem>> -> memref<1x32xf32, #tpu.memory_space<vmem>>
      %dma_start3A_460 = arith.constant 0 : i32
      %dma_start3A_461 = tpu.memref_slice %arg3[%squeeze3A_451, %dma_start3A_460] : memref<1000000x32xf32, #tpu.memory_space<hbm>> -> memref<1x32xf32, #tpu.memory_space<hbm>>
      tpu.enqueue_dma source(%dma_start3A_461 : memref<1x32xf32, #tpu.memory_space<hbm>>) target(%dma_start3A_459 : memref<1x32xf32, #tpu.memory_space<vmem>>) target_semaphore(%arg15 : memref<!tpu.dma_semaphore, #tpu.memory_space<semaphore_mem>>)
      %slice3A_462 = vector.extract_strided_slice %get3A_123 {offsets = [14], sizes = [1], strides = [1]} : vector<16xi32> to vector<1xi32>
      %squeeze3A_463 = vector.extract %slice3A_462[0] : i32 from vector<1xi32>
      %add3A_464 = arith.constant 14 : i32
      %add3A_465 = arith.addi %add3A_119, %add3A_464 : i32
      %dma_start3A_466 = arith.constant 0 : i32
      %dma_start3A_467 = tpu.memref_slice %arg10[%add3A_465, %dma_start3A_466] : memref<256x32xf32, #tpu.memory_space<vmem>> -> memref<1x32xf32, #tpu.memory_space<vmem>>
      %dma_start3A_468 = arith.constant 0 : i32
      %dma_start3A_469 = tpu.memref_slice %arg2[%squeeze3A_463, %dma_start3A_468] : memref<1000000x32xf32, #tpu.memory_space<hbm>> -> memref<1x32xf32, #tpu.memory_space<hbm>>
      %dma_start3A_470 = arith.constant 0 : i32
      %dma_start3A_471 = tpu.memref_slice %arg10[%add3A_465, %dma_start3A_470] : memref<256x32xf32, #tpu.memory_space<vmem>> -> memref<1x32xf32, #tpu.memory_space<vmem>>
      %dma_start3A_472 = arith.constant 0 : i32
      %dma_start3A_473 = tpu.memref_slice %arg2[%squeeze3A_463, %dma_start3A_472] : memref<1000000x32xf32, #tpu.memory_space<hbm>> -> memref<1x32xf32, #tpu.memory_space<hbm>>
      tpu.enqueue_dma source(%dma_start3A_473 : memref<1x32xf32, #tpu.memory_space<hbm>>) target(%dma_start3A_471 : memref<1x32xf32, #tpu.memory_space<vmem>>) target_semaphore(%arg12 : memref<!tpu.dma_semaphore, #tpu.memory_space<semaphore_mem>>)
      %slice3A_474 = vector.extract_strided_slice %get3A_128 {offsets = [14], sizes = [1], strides = [1]} : vector<16xi32> to vector<1xi32>
      %squeeze3A_475 = vector.extract %slice3A_474[0] : i32 from vector<1xi32>
      %add3A_476 = arith.constant 14 : i32
      %add3A_477 = arith.addi %add3A_119, %add3A_476 : i32
      %dma_start3A_478 = arith.constant 0 : i32
      %dma_start3A_479 = tpu.memref_slice %arg11[%add3A_477, %dma_start3A_478] : memref<256x32xf32, #tpu.memory_space<vmem>> -> memref<1x32xf32, #tpu.memory_space<vmem>>
      %dma_start3A_480 = arith.constant 0 : i32
      %dma_start3A_481 = tpu.memref_slice %arg3[%squeeze3A_475, %dma_start3A_480] : memref<1000000x32xf32, #tpu.memory_space<hbm>> -> memref<1x32xf32, #tpu.memory_space<hbm>>
      %dma_start3A_482 = arith.constant 0 : i32
      %dma_start3A_483 = tpu.memref_slice %arg11[%add3A_477, %dma_start3A_482] : memref<256x32xf32, #tpu.memory_space<vmem>> -> memref<1x32xf32, #tpu.memory_space<vmem>>
      %dma_start3A_484 = arith.constant 0 : i32
      %dma_start3A_485 = tpu.memref_slice %arg3[%squeeze3A_475, %dma_start3A_484] : memref<1000000x32xf32, #tpu.memory_space<hbm>> -> memref<1x32xf32, #tpu.memory_space<hbm>>
      tpu.enqueue_dma source(%dma_start3A_485 : memref<1x32xf32, #tpu.memory_space<hbm>>) target(%dma_start3A_483 : memref<1x32xf32, #tpu.memory_space<vmem>>) target_semaphore(%arg14 : memref<!tpu.dma_semaphore, #tpu.memory_space<semaphore_mem>>)
      %slice3A_486 = vector.extract_strided_slice %get3A_123 {offsets = [15], sizes = [1], strides = [1]} : vector<16xi32> to vector<1xi32>
      %squeeze3A_487 = vector.extract %slice3A_486[0] : i32 from vector<1xi32>
      %add3A_488 = arith.constant 15 : i32
      %add3A_489 = arith.addi %add3A_119, %add3A_488 : i32
      %dma_start3A_490 = arith.constant 0 : i32
      %dma_start3A_491 = tpu.memref_slice %arg10[%add3A_489, %dma_start3A_490] : memref<256x32xf32, #tpu.memory_space<vmem>> -> memref<1x32xf32, #tpu.memory_space<vmem>>
      %dma_start3A_492 = arith.constant 0 : i32
      %dma_start3A_493 = tpu.memref_slice %arg2[%squeeze3A_487, %dma_start3A_492] : memref<1000000x32xf32, #tpu.memory_space<hbm>> -> memref<1x32xf32, #tpu.memory_space<hbm>>
      %dma_start3A_494 = arith.constant 0 : i32
      %dma_start3A_495 = tpu.memref_slice %arg10[%add3A_489, %dma_start3A_494] : memref<256x32xf32, #tpu.memory_space<vmem>> -> memref<1x32xf32, #tpu.memory_space<vmem>>
      %dma_start3A_496 = arith.constant 0 : i32
      %dma_start3A_497 = tpu.memref_slice %arg2[%squeeze3A_487, %dma_start3A_496] : memref<1000000x32xf32, #tpu.memory_space<hbm>> -> memref<1x32xf32, #tpu.memory_space<hbm>>
      tpu.enqueue_dma source(%dma_start3A_497 : memref<1x32xf32, #tpu.memory_space<hbm>>) target(%dma_start3A_495 : memref<1x32xf32, #tpu.memory_space<vmem>>) target_semaphore(%arg13 : memref<!tpu.dma_semaphore, #tpu.memory_space<semaphore_mem>>)
      %slice3A_498 = vector.extract_strided_slice %get3A_128 {offsets = [15], sizes = [1], strides = [1]} : vector<16xi32> to vector<1xi32>
      %squeeze3A_499 = vector.extract %slice3A_498[0] : i32 from vector<1xi32>
      %add3A_500 = arith.constant 15 : i32
      %add3A_501 = arith.addi %add3A_119, %add3A_500 : i32
      %dma_start3A_502 = arith.constant 0 : i32
      %dma_start3A_503 = tpu.memref_slice %arg11[%add3A_501, %dma_start3A_502] : memref<256x32xf32, #tpu.memory_space<vmem>> -> memref<1x32xf32, #tpu.memory_space<vmem>>
      %dma_start3A_504 = arith.constant 0 : i32
      %dma_start3A_505 = tpu.memref_slice %arg3[%squeeze3A_499, %dma_start3A_504] : memref<1000000x32xf32, #tpu.memory_space<hbm>> -> memref<1x32xf32, #tpu.memory_space<hbm>>
      %dma_start3A_506 = arith.constant 0 : i32
      %dma_start3A_507 = tpu.memref_slice %arg11[%add3A_501, %dma_start3A_506] : memref<256x32xf32, #tpu.memory_space<vmem>> -> memref<1x32xf32, #tpu.memory_space<vmem>>
      %dma_start3A_508 = arith.constant 0 : i32
      %dma_start3A_509 = tpu.memref_slice %arg3[%squeeze3A_499, %dma_start3A_508] : memref<1000000x32xf32, #tpu.memory_space<hbm>> -> memref<1x32xf32, #tpu.memory_space<hbm>>
      tpu.enqueue_dma source(%dma_start3A_509 : memref<1x32xf32, #tpu.memory_space<hbm>>) target(%dma_start3A_507 : memref<1x32xf32, #tpu.memory_space<vmem>>) target_semaphore(%arg15 : memref<!tpu.dma_semaphore, #tpu.memory_space<semaphore_mem>>)
    }
    %scan3A_62 = arith.constant 16 : i32
    %dma_wait3A_63 = arith.constant 0 : i32
    %dma_wait3A_64 = arith.constant 0 : i32
    %dma_wait3A_65 = tpu.memref_slice %arg10[%dma_wait3A_63, %dma_wait3A_64] : memref<256x32xf32, #tpu.memory_space<vmem>> -> memref<128x32xf32, #tpu.memory_space<vmem>>
    %dma_wait3A_66 = arith.constant 0 : i32
    %dma_wait3A_67 = arith.constant 0 : i32
    %dma_wait3A_68 = tpu.memref_slice %arg2[%dma_wait3A_66, %dma_wait3A_67] : memref<1000000x32xf32, #tpu.memory_space<hbm>> -> memref<128x32xf32, #tpu.memory_space<hbm>>
    %dma_wait3A_69 = arith.constant 0 : i32
    %dma_wait3A_70 = arith.constant 0 : i32
    %dma_wait3A_71 = tpu.memref_slice %arg10[%dma_wait3A_69, %dma_wait3A_70] : memref<256x32xf32, #tpu.memory_space<vmem>> -> memref<128x32xf32, #tpu.memory_space<vmem>>
    %dma_wait3A_72 = arith.constant 0 : i32
    %dma_wait3A_73 = arith.constant 0 : i32
    %dma_wait3A_74 = tpu.memref_slice %arg2[%dma_wait3A_72, %dma_wait3A_73] : memref<1000000x32xf32, #tpu.memory_space<hbm>> -> memref<128x32xf32, #tpu.memory_space<hbm>>
    tpu.wait_dma2 semaphore(%arg12 : memref<!tpu.dma_semaphore, #tpu.memory_space<semaphore_mem>>) src(%dma_wait3A_74 : memref<128x32xf32, #tpu.memory_space<hbm>>) dst(%dma_wait3A_71 : memref<128x32xf32, #tpu.memory_space<vmem>>)
    %dma_wait3A_75 = arith.constant 0 : i32
    %dma_wait3A_76 = arith.constant 0 : i32
    %dma_wait3A_77 = tpu.memref_slice %arg10[%dma_wait3A_75, %dma_wait3A_76] : memref<256x32xf32, #tpu.memory_space<vmem>> -> memref<128x32xf32, #tpu.memory_space<vmem>>
    %dma_wait3A_78 = arith.constant 0 : i32
    %dma_wait3A_79 = arith.constant 0 : i32
    %dma_wait3A_80 = tpu.memref_slice %arg2[%dma_wait3A_78, %dma_wait3A_79] : memref<1000000x32xf32, #tpu.memory_space<hbm>> -> memref<128x32xf32, #tpu.memory_space<hbm>>
    %dma_wait3A_81 = arith.constant 0 : i32
    %dma_wait3A_82 = arith.constant 0 : i32
    %dma_wait3A_83 = tpu.memref_slice %arg10[%dma_wait3A_81, %dma_wait3A_82] : memref<256x32xf32, #tpu.memory_space<vmem>> -> memref<128x32xf32, #tpu.memory_space<vmem>>
    %dma_wait3A_84 = arith.constant 0 : i32
    %dma_wait3A_85 = arith.constant 0 : i32
    %dma_wait3A_86 = tpu.memref_slice %arg2[%dma_wait3A_84, %dma_wait3A_85] : memref<1000000x32xf32, #tpu.memory_space<hbm>> -> memref<128x32xf32, #tpu.memory_space<hbm>>
    tpu.wait_dma2 semaphore(%arg13 : memref<!tpu.dma_semaphore, #tpu.memory_space<semaphore_mem>>) src(%dma_wait3A_86 : memref<128x32xf32, #tpu.memory_space<hbm>>) dst(%dma_wait3A_83 : memref<128x32xf32, #tpu.memory_space<vmem>>)
    %add3A_87 = arith.constant 256 : i32
    %add3A_88 = arith.addi %mul3A_2, %add3A_87 : i32
    "tpu.region"() ({
      %run_scoped3A = tpu.sem_alloc : memref<!tpu.dma_semaphore, #tpu.memory_space<semaphore_mem>>
      %dma_start3A = arith.constant 0 : i32
      %dma_start3A_115 = tpu.memref_slice %arg6[%add3A_88, %dma_start3A] : memref<16384x32xf32, #tpu.memory_space<hbm>> -> memref<256x32xf32, #tpu.memory_space<hbm>>
      %dma_start3A_116 = arith.constant 0 : i32
      %dma_start3A_117 = tpu.memref_slice %arg6[%add3A_88, %dma_start3A_116] : memref<16384x32xf32, #tpu.memory_space<hbm>> -> memref<256x32xf32, #tpu.memory_space<hbm>>
      tpu.enqueue_dma source(%arg10 : memref<256x32xf32, #tpu.memory_space<vmem>>) target(%dma_start3A_117 : memref<256x32xf32, #tpu.memory_space<hbm>>) target_semaphore(%run_scoped3A : memref<!tpu.dma_semaphore, #tpu.memory_space<semaphore_mem>>)
      %dma_wait3A_118 = arith.constant 0 : i32
      %dma_wait3A_119 = tpu.memref_slice %arg6[%add3A_88, %dma_wait3A_118] : memref<16384x32xf32, #tpu.memory_space<hbm>> -> memref<256x32xf32, #tpu.memory_space<hbm>>
      %dma_wait3A_120 = arith.constant 0 : i32
      %dma_wait3A_121 = tpu.memref_slice %arg6[%add3A_88, %dma_wait3A_120] : memref<16384x32xf32, #tpu.memory_space<hbm>> -> memref<256x32xf32, #tpu.memory_space<hbm>>
      tpu.wait_dma2 semaphore(%run_scoped3A : memref<!tpu.dma_semaphore, #tpu.memory_space<semaphore_mem>>) src(%arg10 : memref<256x32xf32, #tpu.memory_space<vmem>>) dst(%dma_wait3A_121 : memref<256x32xf32, #tpu.memory_space<hbm>>)
      tpu.yield
    }) : () -> ()
    %dma_wait3A_89 = arith.constant 0 : i32
    %dma_wait3A_90 = arith.constant 0 : i32
    %dma_wait3A_91 = tpu.memref_slice %arg11[%dma_wait3A_89, %dma_wait3A_90] : memref<256x32xf32, #tpu.memory_space<vmem>> -> memref<128x32xf32, #tpu.memory_space<vmem>>
    %dma_wait3A_92 = arith.constant 0 : i32
    %dma_wait3A_93 = arith.constant 0 : i32
    %dma_wait3A_94 = tpu.memref_slice %arg3[%dma_wait3A_92, %dma_wait3A_93] : memref<1000000x32xf32, #tpu.memory_space<hbm>> -> memref<128x32xf32, #tpu.memory_space<hbm>>
    %dma_wait3A_95 = arith.constant 0 : i32
    %dma_wait3A_96 = arith.constant 0 : i32
    %dma_wait3A_97 = tpu.memref_slice %arg11[%dma_wait3A_95, %dma_wait3A_96] : memref<256x32xf32, #tpu.memory_space<vmem>> -> memref<128x32xf32, #tpu.memory_space<vmem>>
    %dma_wait3A_98 = arith.constant 0 : i32
    %dma_wait3A_99 = arith.constant 0 : i32
    %dma_wait3A_100 = tpu.memref_slice %arg3[%dma_wait3A_98, %dma_wait3A_99] : memref<1000000x32xf32, #tpu.memory_space<hbm>> -> memref<128x32xf32, #tpu.memory_space<hbm>>
    tpu.wait_dma2 semaphore(%arg14 : memref<!tpu.dma_semaphore, #tpu.memory_space<semaphore_mem>>) src(%dma_wait3A_100 : memref<128x32xf32, #tpu.memory_space<hbm>>) dst(%dma_wait3A_97 : memref<128x32xf32, #tpu.memory_space<vmem>>)
    %dma_wait3A_101 = arith.constant 0 : i32
    %dma_wait3A_102 = arith.constant 0 : i32
    %dma_wait3A_103 = tpu.memref_slice %arg11[%dma_wait3A_101, %dma_wait3A_102] : memref<256x32xf32, #tpu.memory_space<vmem>> -> memref<128x32xf32, #tpu.memory_space<vmem>>
    %dma_wait3A_104 = arith.constant 0 : i32
    %dma_wait3A_105 = arith.constant 0 : i32
    %dma_wait3A_106 = tpu.memref_slice %arg3[%dma_wait3A_104, %dma_wait3A_105] : memref<1000000x32xf32, #tpu.memory_space<hbm>> -> memref<128x32xf32, #tpu.memory_space<hbm>>
    %dma_wait3A_107 = arith.constant 0 : i32
    %dma_wait3A_108 = arith.constant 0 : i32
    %dma_wait3A_109 = tpu.memref_slice %arg11[%dma_wait3A_107, %dma_wait3A_108] : memref<256x32xf32, #tpu.memory_space<vmem>> -> memref<128x32xf32, #tpu.memory_space<vmem>>
    %dma_wait3A_110 = arith.constant 0 : i32
    %dma_wait3A_111 = arith.constant 0 : i32
    %dma_wait3A_112 = tpu.memref_slice %arg3[%dma_wait3A_110, %dma_wait3A_111] : memref<1000000x32xf32, #tpu.memory_space<hbm>> -> memref<128x32xf32, #tpu.memory_space<hbm>>
    tpu.wait_dma2 semaphore(%arg15 : memref<!tpu.dma_semaphore, #tpu.memory_space<semaphore_mem>>) src(%dma_wait3A_112 : memref<128x32xf32, #tpu.memory_space<hbm>>) dst(%dma_wait3A_109 : memref<128x32xf32, #tpu.memory_space<vmem>>)
    %add3A_113 = arith.constant 256 : i32
    %add3A_114 = arith.addi %mul3A_2, %add3A_113 : i32
    "tpu.region"() ({
      %run_scoped3A = tpu.sem_alloc : memref<!tpu.dma_semaphore, #tpu.memory_space<semaphore_mem>>
      %dma_start3A = arith.constant 0 : i32
      %dma_start3A_115 = tpu.memref_slice %arg7[%add3A_114, %dma_start3A] : memref<16384x32xf32, #tpu.memory_space<hbm>> -> memref<256x32xf32, #tpu.memory_space<hbm>>
      %dma_start3A_116 = arith.constant 0 : i32
      %dma_start3A_117 = tpu.memref_slice %arg7[%add3A_114, %dma_start3A_116] : memref<16384x32xf32, #tpu.memory_space<hbm>> -> memref<256x32xf32, #tpu.memory_space<hbm>>
      tpu.enqueue_dma source(%arg11 : memref<256x32xf32, #tpu.memory_space<vmem>>) target(%dma_start3A_117 : memref<256x32xf32, #tpu.memory_space<hbm>>) target_semaphore(%run_scoped3A : memref<!tpu.dma_semaphore, #tpu.memory_space<semaphore_mem>>)
      %dma_wait3A_118 = arith.constant 0 : i32
      %dma_wait3A_119 = tpu.memref_slice %arg7[%add3A_114, %dma_wait3A_118] : memref<16384x32xf32, #tpu.memory_space<hbm>> -> memref<256x32xf32, #tpu.memory_space<hbm>>
      %dma_wait3A_120 = arith.constant 0 : i32
      %dma_wait3A_121 = tpu.memref_slice %arg7[%add3A_114, %dma_wait3A_120] : memref<16384x32xf32, #tpu.memory_space<hbm>> -> memref<256x32xf32, #tpu.memory_space<hbm>>
      tpu.wait_dma2 semaphore(%run_scoped3A : memref<!tpu.dma_semaphore, #tpu.memory_space<semaphore_mem>>) src(%arg11 : memref<256x32xf32, #tpu.memory_space<vmem>>) dst(%dma_wait3A_121 : memref<256x32xf32, #tpu.memory_space<hbm>>)
      tpu.yield
    }) : () -> ()
    return
  }
}

</mosaic_0001>

<sc_bundles>
// kernel: kernel.3.cloned.1.call-start
scs
__scs_entry_jumppad:
0x0: {  	(pc) =	sbr.rel $0x88, $3  }
0x1: {  	(tag) =	ssettag $0x0;
	lr =	simm.s32 $0x1  }
0x2: {  	[smem:$0x3F9D] =	sst lr;
	_ =	strace $0xD0000000  }
0x3: {  	_ = 	snop  }
0x4: {  	_ = 	snop  }
0x5: {  	_ = 	snop  }
0x6: {  	_ = 	snop  }
0x7: {  	_ = 	snop  }
__scs_overlays_trampoline_lowered:
0x8: {  	[smem:$0x3FAC] =	sst s0  }
0x9: {  	[smem:$0x3FAD] =	sst s1  }
0xa: {  	[smem:$0x3FAE] =	sst s2  }
0xb: {  	[smem:$0x3FAF] =	sst s3  }
0xc: {  	[smem:$0x3FB0] =	sst s4  }
0xd: {  	[smem:$0x3FB1] =	sst s5  }
0xe: {  	[smem:$0x3FB2] =	sst s6  }
0xf: {  	[smem:$0x3FB3] =	sst s7  }
0x10: {  	[smem:$0x3FB4] =	sst s8  }
0x11: {  	[smem:$0x3FB5] =	sst s9;
	s0 =	simm.s32 @!p0 $0x0  }
0x12: {  	s1 =	sld [smem:$0x3F9B];
	s0 =	simm.s32 @p0 $0x1  }
0x13: {  	[smem:$0x3FB6] =	sst s0;
	s0 =	simm.s32 @!p1 $0x0  }
0x14: {  	s2 =	sld [smem:$0x3F9A];
	s0 =	simm.s32 @p1 $0x1  }
0x15: {  	[smem:$0x3FB7] =	sst s0;
	s0 =	simm.s32 @!p2 $0x0  }
0x16: {  	s3 =	sld [smem:$0x3FDB];
	s0 =	simm.s32 @p2 $0x1  }
0x17: {  	s4 =	simm.s32 $0x1BF5;
	[smem:$0x3FB9] =	sst s0  }
0x18: {  	s0 =	sld [smem:$0x3F9C];
	_ =	swait.ge [sflag:s4], $0x0  }
0x19: {  	s7 =	sld [smem:$0x3F9D]  }
0x1a: {  	s8 =	sadd.s32 $0xFFFFE003, lr  }
0x1b: {  	s9 =	sadd.s32 $0xFFFFFEF7, lr;
	s5 =	simm.s32 $0xFFFFFFFF;
	p2 =	slt.u32 s8, $0xFFFFF086  }
0x1c: {  	p1 =	slt.u32 s9, $0xF7A;
	s5 =	simm.s32 @!p2 $0x0  }
0x1d: {  	s5 =	simm.s32 @p1 $0x1;
	p0 =	seq.s32 s7, s2  }
0x1e: {  	s7 =	smul.u32 @!p0 $0xF7A, s2;
	p2 =	seq.s32 @!p0 s5, $0x0  }
0x1f: {  	s9 =	smul.u32 $0xF7A, s1;
	s8 =	simm.s32 @!p0 $0x1BF5;
	p2 =	por !p2, p0  }
0x20: {  	[sflag:s8] =	ssyncset.s32 @!p0 $0xFFFFF086;
	s6 =	sadd.s32 @!p0 s3, s7;
	s7 =	simm.s32 @!p0 $0x108  }
0x21: {  	s3 =	sadd.s32 s3, s9;
	s6 =	sadd.s32 @!p0 $0x88, s6;
	s7 =	simm.s32 @p2 $0x1082  }
0x22: {  	[simem:s7], [sflag:s8] =	dma.local @!p0 [hbm:s6], $0xF7A  }
0x23: {  	s9 =	sor.u32 $0xD0000000, s2;
	s6 =	simm.s32 $0x108;
	_ =	swait.ge @!p0 [sflag:s8], $0x0  }
0x24: {  	s3 =	sadd.s32 $0x88, s3;
	s6 =	simm.s32 @!p1 $0x1082;
	[sflag:s4] =	ssyncset.s32 $0xFFFFF086  }
0x25: {  	[simem:s6], [sflag:s4] =	dma.local [hbm:s3], $0xF7A  }
0x26: {  	[smem:$0x3F9D] =	sst s1;
	(tag) =	ssettag s2;
	_ =	strace s9  }
0x27: {  	s1 =	sld [smem:$0x3FAD]  }
0x28: {  	s2 =	sld [smem:$0x3FAE]  }
0x29: {  	s4 =	sld [smem:$0x3FB0]  }
0x2a: {  	p0 =	seq.s32 s5, $0x0;
	s5 =	sld [smem:$0x3FB1]  }
0x2b: {  	s6 =	sld [smem:$0x3FB2]  }
0x2c: {  	s7 =	sld [smem:$0x3FB3]  }
0x2d: {  	s3 =	simm.s32 $0x108;
	s8 =	sld [smem:$0x3FB4]  }
0x2e: {  	s3 =	simm.s32 @!p0 $0x1082;
	s9 =	sld [smem:$0x3FB5]  }
0x2f: {  	lr =	sadd.s32 s0, s3;
	s0 =	sld [smem:$0x3FAC]  }
0x30: {  	s3 =	sld [smem:$0x3FAF]  }
0x31: {  	[smem:$0x3FB8] =	sst s10  }
0x32: {  	s10 =	sld [smem:$0x3FB6];
	_ =	sdelay $0x3  }
0x33: {  	p0 =	seq.s32 s10, $0x1;
	s10 =	sld [smem:$0x3FB8];
	_ =	sdelay $0x3  }
0x34: {  	[smem:$0x3FB8] =	sst s10  }
0x35: {  	s10 =	sld [smem:$0x3FB7];
	_ =	sdelay $0x3  }
0x36: {  	p1 =	seq.s32 s10, $0x1;
	s10 =	sld [smem:$0x3FB8];
	_ =	sdelay $0x3  }
0x37: {  	[smem:$0x3FB8] =	sst s10  }
0x38: {  	s10 =	sld [smem:$0x3FB9]  }
0x39: {  	_ = 	snop;
	(pc) =	sbr.ind lr, $3  }
0x3a: {  	_ = 	snop  }
0x3b: {  	_ = 	snop  }
0x3c: {  	p2 =	seq.s32 s10, $0x1;
	s10 =	sld [smem:$0x3FB8]  }
0x3d: {  	_ =	shalt  }
0x3e: {  	_ =	shalt  }
0x3f: {  	_ =	shalt  }
0x40: {  	_ =	shalt  }
0x41: {  	_ =	shalt  }
0x42: {  	_ =	shalt  }
0x43: {  	_ =	shalt  }
0x44: {  	_ =	shalt  }
0x45: {  	_ =	shalt  }
0x46: {  	_ =	shalt  }
0x47: {  	_ =	shalt  }
0x48: {  	_ =	shalt  }
0x49: {  	_ =	shalt  }
0x4a: {  	_ =	shalt  }
0x4b: {  	_ =	shalt  }
0x4c: {  	_ =	shalt  }
0x4d: {  	_ =	shalt  }
0x4e: {  	_ =	shalt  }
0x4f: {  	_ =	shalt  }
0x50: {  	_ =	shalt  }
0x51: {  	_ =	shalt  }
0x52: {  	_ =	shalt  }
0x53: {  	_ =	shalt  }
0x54: {  	_ =	shalt  }
0x55: {  	_ =	shalt  }
0x56: {  	_ =	shalt  }
0x57: {  	_ =	shalt  }
0x58: {  	_ =	shalt  }
0x59: {  	_ =	shalt  }
0x5a: {  	_ =	shalt  }
0x5b: {  	_ =	shalt  }
0x5c: {  	_ =	shalt  }
0x5d: {  	_ =	shalt  }
0x5e: {  	_ =	shalt  }
0x5f: {  	_ =	shalt  }
0x60: {  	_ =	shalt  }
0x61: {  	_ =	shalt  }
0x62: {  	_ =	shalt  }
0x63: {  	_ =	shalt  }
0x64: {  	_ =	shalt  }
0x65: {  	_ =	shalt  }
0x66: {  	_ =	shalt  }
0x67: {  	_ =	shalt  }
0x68: {  	_ =	shalt  }
0x69: {  	_ =	shalt  }
0x6a: {  	_ =	shalt  }
0x6b: {  	_ =	shalt  }
0x6c: {  	_ =	shalt  }
0x6d: {  	_ =	shalt  }
0x6e: {  	_ =	shalt  }
0x6f: {  	_ =	shalt  }
0x70: {  	_ =	shalt  }
0x71: {  	_ =	shalt  }
0x72: {  	_ =	shalt  }
0x73: {  	_ =	shalt  }
0x74: {  	_ =	shalt  }
0x75: {  	_ =	shalt  }
0x76: {  	_ =	shalt  }
0x77: {  	_ =	shalt  }
0x78: {  	_ =	shalt  }
0x79: {  	_ =	shalt  }
0x7a: {  	_ =	shalt  }
0x7b: {  	_ =	shalt  }
0x7c: {  	_ =	shalt  }
0x7d: {  	_ =	shalt  }
0x7e: {  	_ =	shalt  }
0x7f: {  	_ =	shalt  }
0x80: {  	_ =	shalt  }
0x81: {  	_ =	shalt  }
0x82: {  	_ =	shalt  }
0x83: {  	_ =	shalt  }
0x84: {  	_ =	shalt  }
0x85: {  	_ =	shalt  }
0x86: {  	_ =	shalt  }
0x87: {  	_ =	shalt  }
.Lfunc_end0:
.L_simem_size_0:
called_computation_lowered:
.L_overlay_start_0:
0x88: {  	s2 =	sld [smem:$0x3FD9]  }
0x89: {  	s3 =	sld [smem:$0x3FFE];
	_ =	sdelay $0x1  }
0x8a: {  	s1 =	srdreg.scid  }
0x8b: {  	s0 =	sand.u32 $0x1, s1  }
0x8c: {  	s17 =	sshll.u32 s0, $0xA;
	s2 =	sadd.s32 s3, s2  }
0x8d: {  	s2 =	sadd.s32 s2, s17  }
0x8e: {  	[smem:$0x3FC4] =	sst s2  }
0x8f: {  	_ = 	snop  }
0x90: {  	s2 =	sld [smem:$0x3FC9]  }
0x91: {  	s18 =	sld [smem:$0x3FC8];
	(tm) =	ssettm $0x1  }
0x92: {  	s4 =	sld [smem:$0x3FFB];
	_ =	sdelay $0x3  }
0x93: {  	_ =	strace s4  }
0x94: {  	s4 =	sld [smem:$0x3FFC];
	_ =	sdelay $0x3  }
0x95: {  	_ =	strace s4  }
0x96: {  	s4 =	sld [smem:$0x3FFD];
	_ =	sdelay $0x3  }
0x97: {  	_ =	strace s4  }
0x98: {  	_ =	strace $0x8FFFFFFF  }
0x99: {  	s19 =	sld [smem:$0x3FDB];
	_ =	sdelay $0x1  }
0x9a: {  	s5 =	simm.s32 $_scs_section_size  }
0x9b: {  	s6 =	simm.s32 $_size__tile_overlayer_lowered;
	s7 =	simm.s32 $_tile_overlayer_lowered  }
0x9c: {  	s22 =	simm.s32 $0x1BFF;
	s21 =	sshll.u32 s7, $0x1;
	s4 =	sadd.s32 s5, s19  }
0x9d: {  	s8 =	simm.s32 $0x0;
	s20 =	sshll.u32 s6, $0x1;
	s6 =	sadd.s32 s21, s4  }
0x9e: {  	[timem:s8], [sflag:s22] =	dma.local [hbm:s6], s20  }
0x9f: {  	_ =	swait.ge [sflag:s22], s20  }
0xa0: {  	s5 =	ssub.s32 $0x0, s20;
	[sflag:s22] =	ssyncset.done $0x0  }
0xa1: {  	[sflag:s22] =	ssyncadd.s32 s5;
	_ =	sdelay $0x1  }
0xa2: {  	s23 =	simm.s32 $0x1B8B  }
0xa3: {  	_ =	swait.ge [sflag:s23], $0x1  }
0xa4: {  	[sflag:s23] =	ssyncset.done $0x0  }
0xa5: {  	s25 =	simm.s32 $0x1B8E;
	s24 =	sld [smem:$0x3FFE];
	[sflag:s23] =	ssyncadd.s32 $0xFFFFFFFF  }
0xa6: {  	s26 =	simm.s32 $execute0_lowered;
	[smem:$0x3FD2] =	sst s25  }
0xa7: {  	s6 =	sshll.u32 s26, $0x1;
	_ =	strace $0x80000046;
	[dreg:$0x1] =	wrdreg $0xFFFFFFFF  }
0xa8: {  	s28 =	simm.s32 $_size_execute0_lowered;
	s4 =	sadd.s32 s4, s6;
	[dreg:$0x0] =	wrdreg $0x0  }
0xa9: {  	s6 =	sshll.u32 s28, $0x1;
	[dreg:$0x2] =	wrdreg s4  }
0xaa: {  	[dreg:$0x3] =	wrdreg s6  }
0xab: {  	[dreg:$0x4] =	wrdreg $0xC0  }
0xac: {  	_ =	task [dreg:s8], $0x5FFFF  }
0xad: {  	[dreg:$0x1] =	wrdreg $0xFFFFFFFF  }
0xae: {  	[dreg:$0x0] =	wrdreg $0x60  }
0xaf: {  	[dreg:$0x2] =	wrdreg s24  }
0xb0: {  	[dreg:$0x3] =	wrdreg s2  }
0xb1: {  	[dreg:$0x4] =	wrdreg s18  }
0xb2: {  	[dreg:$0x5] =	wrdreg $0x9  }
0xb3: {  	_ =	task.clear_ibuf [dreg:s8], $0x6FFFF;
	_ =	strace $0x90000046  }
0xb4: {  	s29 =	simm.s32 $0x9;
	_ =	strace $0x80000048  }
0xb5: {  	_ =	swait.ge [sflag:s29], $0x1  }
0xb6: {  	[sflag:s29] =	ssyncadd.s32 $0xFFFFFFFF  }
0xb7: {  	_ =	strace $0x90000048  }
0xb8: {  	_ =	sfence  }
0xb9: {  	s30 =	sld [smem:$0x0];
	_ =	sdelay $0x2  }
0xba: {  	s31 =	sshll.u32 s1, $0xD;
	s1 =	sshrl.u32 s1, $0x2  }
0xbb: {  	s3 =	sand.u32 $0x4000, s31;
	s1 =	sadd.s32 s1, s30  }
0xbc: {  	s0 =	sor.u32 s3, s0;
	s1 =	sshll.u32 s1, $0x11  }
0xbd: {  	s0 =	sor.u32 s1, s0  }
0xbe: {  	s0 =	sadd.s32 $0x8F2B, s0  }
0xbf: {  	[sflag:s0] =	ssyncadd.remote.s32 $0x1  }
0xc0: {  	_ =	sfence.sel $0xFFFF  }
0xc1: {  	[dreg:$0x0] =	wrdreg $0xFFFFFFFF;
	(pc) =	sbr.abs _section_cstart, $3  }
0xc2: {  	[dreg:$0x1] =	wrdreg $0xFFFFFFFF  }
0xc3: {  	_ =	task.clear_ibuf [dreg:s8], $0x2FFFF;
	_ =	strace $0x9FFFFFFF  }
0xc4: {  	(tm) =	ssettm $0x7FFFFFFF  }
0xc5: {  	_ =	shalt  }
tec
execute0_lowered:
.L_overlay_start_1:
0x0: {  	(tag) =	ssettag $0x1  }
0x1: {  	s0 =	rddreg [dreg:$0x0]  }
0x2: {  	s2 =	rddreg [dreg:$0x1]  }
0x3: {  	s5 =	rddreg [dreg:$0x2];
	s4 =	srdreg.scid  }
0x4: {  	s1 =	simm.s32 $0x0;
	s7 =	stileid.u32;
	s6 =	sand.u32 $0x1, s4  }
0x5: {  	[smem:$0x7FF] =	sst s1;
	s7 =	sshll.u32 s7, $0xA;
	s8 =	sshll.u32 s6, $0x9  }
0x6: {  	s3 =	sadd.s32 $0x800, s0;
	s4 =	sadd.s32 $0xF42C00, s0;
	s7 =	sor.u32 s8, s7  }
0x7: {  	s9 =	sadd.s32 $0x1E85000, s0;
	s6 =	ssub.s32 $0x2, s6;
	s10 =	sshrl.u32 s7, $0x3  }
0x8: {  	_ =	strace $0x80000047;
	s25 =	sshrl.u32 s6, $0x1;
	s2 =	sadd.s32 s2, s10  }
0x9: {  	s26 =	sshll.u32 s7, $0x4;
	s5 =	sadd.s32 s5, s10;
	[dreg:$0x16] =	wrdreg s2  }
0xa: {  	s6 =	ssub.s32 s6, s25;
	s28 =	sadd.s32 s9, s26;
	[dreg:$0x17] =	wrdreg s5  }
0xb: {  	s0 =	sadd.s32 $0x1EC5000, s0;
	s31 =	smax.u32 s6, $0x1;
	[dreg:$0x18] =	wrdreg s28  }
0xc: {  	s29 =	sor.u32 $0x1000, s26;
	s2 =	sadd.s32 s0, s26;
	[dreg:$0x1c] =	wrdreg s31  }
0xd: {  	s30 =	sadd.s32 s9, s29;
	[dreg:$0x19] =	wrdreg s2  }
0xe: {  	s0 =	sadd.s32 s0, s29;
	[dreg:$0x1a] =	wrdreg s30  }
0xf: {  	s5 =	simm.s32 $0x5;
	[dreg:$0x1b] =	wrdreg s0;
	s2 =	simm.s32 $0x0  }
.LBB2_1:
0x10: {  	[dreg:$0x1d] =	wrdreg s2  }
0x11: {  	s0 =	rddreg [dreg:$0x16]  }
0x12: {  	[tilespmem:s1], [sflag:$0x5] =	stream.linear.gather [hbm4b:s0+s1], $0x200, $0x38;
	[tilespmem:$0x10400] =	vst v63  }
0x13: {  	_ =	swait.ge [sflag:s5], $0x200  }
0x14: {  	[sflag:s5] =	ssyncset.done $0x0  }
0x15: {  	s21 =	simm.s32 $0x200;
	s22 =	rddreg [dreg:$0x17];
	[sflag:s5] =	ssyncadd.s32 $0xFFFFFE00  }
0x16: {  	[tilespmem:s21], [sflag:$0x5] =	stream.linear.gather [hbm4b:s22+s1], $0x200, $0x38;
	[tilespmem:$0x10400] =	vst v63  }
0x17: {  	_ =	swait.ge [sflag:s5], $0x200  }
0x18: {  	[sflag:s5] =	ssyncset.done $0x0  }
0x19: {  	[sflag:s5] =	ssyncadd.s32 $0xFFFFFE00  }
0x1a: {  	v0 =	vld [tilespmem:s1+$0x0];
	_ =	sdelay $0x1  }
0x1b: {  	v2 =	vld [tilespmem:s21+$0x0];
	_ =	sdelay $0x2  }
0x1c: {  	v1 =	vshll.u32 v0, $0x4  }
0x1d: {  	(v2sf) =	vpush v1, $0x0  }
0x1e: {  	v63 =	vshll.u32 v2, $0x4  }
0x1f: {  	(v2sf) =	vpush v63, $0x0;
	_ =	sdelay $0x1  }
0x20: {  	(v2sf) =	vpush v1, $0x1  }
0x21: {  	(v2sf) =	vpush v63, $0x1  }
0x22: {  	(v2sf) =	vpush v1, $0x2;
	_ =	sdelay $0x1  }
0x23: {  	(v2sf) =	vpush v63, $0x2;
	_ =	sdelay $0x1  }
0x24: {  	(v2sf) =	vpush v1, $0x3  }
0x25: {  	s20 =	simm.s32 $0x0  }
0x26: {  	s23 =	simm.s32 $0x8400;
	s13 =	simm.s32 $0x880;
	s7 =	simm.s32 $0x400  }
0x27: {  	s9 =	simm.s32 $0x600;
	s10 =	simm.s32 $0x580;
	s26 =	simm.s32 $0x480  }
0x28: {  	s15 =	simm.s32 $0x500;
	s18 =	simm.s32 $0x8500;
	s30 =	simm.s32 $0xA00  }
0x29: {  	s29 =	simm.s32 $0xB00;
	s28 =	simm.s32 $0x8B00;
	s8 =	spop (v2sf)  }
0x2a: {  	s0 =	simm.s32 $0x8900;
	s5 =	simm.s32 $0x680;
	(v2sf) =	vpush v63, $0x3;
	s8 =	sand.u32 $0x1FFFFFF0, s8  }
0x2b: {  	s21 =	simm.s32 $0x2000;
	s11 =	spop (v2sf);
	s8 =	sadd.s32 s3, s8  }
0x2c: {  	(v2sf) =	vpush v1, $0x4;
	[tilespmem:s7], [sflag:$0x1] =	stream.linear.gather [hbm4b:s8+s1], $0x80, $0x38;
	[tilespmem:$0x10400] =	vst v63  }
0x2d: {  	(v2sf) =	vpush v63, $0x4;
	s24 =	sand.u32 $0x1FFFFFF0, s11;
	s25 =	spop (v2sf);
	s7 =	simm.s32 $0x8580  }
0x2e: {  	s8 =	sadd.s32 s4, s24;
	s11 =	sand.u32 $0x1FFFFFF0, s25;
	s12 =	spop (v2sf)  }
0x2f: {  	(v2sf) =	vpush v1, $0x5;
	s25 =	simm.s32 $0x8600;
	s31 =	sadd.s32 s3, s11;
	s14 =	spop (v2sf)  }
0x30: {  	[tilespmem:s23], [sflag:$0x3] =	stream.linear.gather [hbm4b:s8+s1], $0x80, $0x38;
	[tilespmem:$0x10400] =	vst v63  }
0x31: {  	s6 =	sand.u32 $0x1FFFFFF0, s12;
	s12 =	simm.s32 $0x8480;
	s16 =	spop (v2sf)  }
0x32: {  	(v2sf) =	vpush v63, $0x5;
	[tilespmem:s26], [sflag:$0x2] =	stream.linear.gather [hbm4b:s31+s1], $0x80, $0x38;
	[tilespmem:$0x10400] =	vst v63  }
0x33: {  	s11 =	sadd.s32 s4, s6;
	s8 =	sand.u32 $0x1FFFFFF0, s14;
	s17 =	spop (v2sf)  }
0x34: {  	(v2sf) =	vpush v1, $0x6;
	[tilespmem:s12], [sflag:$0x4] =	stream.linear.gather [hbm4b:s11+s1], $0x80, $0x38;
	[tilespmem:$0x10400] =	vst v63  }
0x35: {  	s8 =	sadd.s32 s3, s8;
	s22 =	sand.u32 $0x1FFFFFF0, s17;
	s11 =	sand.u32 $0x1FFFFFF0, s16  }
0x36: {  	(v2sf) =	vpush v63, $0x6;
	[tilespmem:s15], [sflag:$0x1] =	stream.linear.gather [hbm4b:s8+s1], $0x80, $0x38;
	[tilespmem:$0x10400] =	vst v63  }
0x37: {  	s6 =	simm.s32 $0x8A00;
	s24 =	sadd.s32 s3, s22;
	s19 =	sadd.s32 s4, s11  }
0x38: {  	[tilespmem:s18], [sflag:$0x3] =	stream.linear.gather [hbm4b:s19+s1], $0x80, $0x38;
	[tilespmem:$0x10400] =	vst v63  }
0x39: {  	s12 =	simm.s32 $0xA80;
	s16 =	simm.s32 $0x8680;
	s23 =	spop (v2sf)  }
0x3a: {  	(v2sf) =	vpush v1, $0x7;
	[tilespmem:s10], [sflag:$0x2] =	stream.linear.gather [hbm4b:s24+s1], $0x80, $0x38;
	[tilespmem:$0x10400] =	vst v63  }
0x3b: {  	s11 =	simm.s32 $0x8A80;
	s2 =	sand.u32 $0x1FFFFFF0, s23;
	s26 =	spop (v2sf)  }
0x3c: {  	s18 =	simm.s32 $0x700;
	s2 =	sadd.s32 s4, s2;
	s31 =	spop (v2sf)  }
0x3d: {  	(v2sf) =	vpush v63, $0x7;
	[tilespmem:s7], [sflag:$0x4] =	stream.linear.gather [hbm4b:s2+s1], $0x80, $0x38;
	[tilespmem:$0x10400] =	vst v63  }
0x3e: {  	s10 =	sand.u32 $0x1FFFFFF0, s26;
	(v2sf) =	vpush v1, $0x8;
	s15 =	sand.u32 $0x1FFFFFF0, s31;
	s17 =	spop (v2sf)  }
0x3f: {  	s14 =	sadd.s32 s3, s10;
	s7 =	sadd.s32 s4, s15;
	s19 =	sand.u32 $0x1FFFFFF0, s17  }
0x40: {  	(v2sf) =	vpush v63, $0x8;
	[tilespmem:s9], [sflag:$0x1] =	stream.linear.gather [hbm4b:s14+s1], $0x80, $0x38;
	[tilespmem:$0x10400] =	vst v63  }
0x41: {  	s22 =	spop (v2sf);
	s15 =	simm.s32 $0x780;
	s8 =	sadd.s32 s3, s19  }
0x42: {  	(v2sf) =	vpush v1, $0x9;
	[tilespmem:s25], [sflag:$0x3] =	stream.linear.gather [hbm4b:s7+s1], $0x80, $0x38;
	[tilespmem:$0x10400] =	vst v63  }
0x43: {  	s9 =	sand.u32 $0x1FFFFFF0, s22;
	s23 =	spop (v2sf);
	s22 =	simm.s32 $0x800  }
0x44: {  	(v2sf) =	vpush v63, $0x9;
	[tilespmem:s5], [sflag:$0x2] =	stream.linear.gather [hbm4b:s8+s1], $0x80, $0x38;
	[tilespmem:$0x10400] =	vst v63  }
0x45: {  	s24 =	sadd.s32 s4, s9;
	s26 =	spop (v2sf);
	s25 =	sand.u32 $0x1FFFFFF0, s23  }
0x46: {  	(v2sf) =	vpush v1, $0xA;
	[tilespmem:s16], [sflag:$0x4] =	stream.linear.gather [hbm4b:s24+s1], $0x80, $0x38;
	[tilespmem:$0x10400] =	vst v63  }
0x47: {  	s9 =	simm.s32 $0x8700;
	s2 =	sand.u32 $0x1FFFFFF0, s26;
	s31 =	sadd.s32 s3, s25  }
0x48: {  	(v2sf) =	vpush v63, $0xA;
	[tilespmem:s18], [sflag:$0x1] =	stream.linear.gather [hbm4b:s31+s1], $0x80, $0x38;
	[tilespmem:$0x10400] =	vst v63  }
0x49: {  	s2 =	sadd.s32 s4, s2;
	s25 =	simm.s32 $0x8800;
	s10 =	spop (v2sf)  }
0x4a: {  	(v2sf) =	vpush v1, $0xB;
	[tilespmem:s9], [sflag:$0x3] =	stream.linear.gather [hbm4b:s2+s1], $0x80, $0x38;
	[tilespmem:$0x10400] =	vst v63  }
0x4b: {  	s5 =	simm.s32 $0x8980;
	s18 =	simm.s32 $0x8780;
	s8 =	sand.u32 $0x1FFFFFF0, s10  }
0x4c: {  	s9 =	simm.s32 $0x8880;
	s14 =	spop (v2sf);
	(v2sf) =	vpush v63, $0xB;
	s16 =	sadd.s32 s3, s8  }
0x4d: {  	s17 =	sand.u32 $0x1FFFFFF0, s14;
	s19 =	spop (v2sf);
	s14 =	simm.s32 $0x900  }
0x4e: {  	[tilespmem:s15], [sflag:$0x2] =	stream.linear.gather [hbm4b:s16+s1], $0x80, $0x38;
	[tilespmem:$0x10400] =	vst v63  }
0x4f: {  	s8 =	sadd.s32 s4, s17;
	s7 =	sand.u32 $0x1FFFFFF0, s19;
	s23 =	spop (v2sf)  }
0x50: {  	(v2sf) =	vpush v1, $0xC;
	[tilespmem:s18], [sflag:$0x4] =	stream.linear.gather [hbm4b:s8+s1], $0x80, $0x38;
	[tilespmem:$0x10400] =	vst v63  }
0x51: {  	s7 =	sadd.s32 s3, s7;
	s24 =	spop (v2sf);
	s8 =	sand.u32 $0x1FFFFFF0, s23  }
0x52: {  	(v2sf) =	vpush v63, $0xC;
	[tilespmem:s22], [sflag:$0x1] =	stream.linear.gather [hbm4b:s7+s1], $0x80, $0x38;
	[tilespmem:$0x10400] =	vst v63  }
0x53: {  	s31 =	sand.u32 $0x1FFFFFF0, s24;
	s10 =	spop (v2sf);
	s26 =	sadd.s32 s4, s8  }
0x54: {  	[tilespmem:s25], [sflag:$0x3] =	stream.linear.gather [hbm4b:s26+s1], $0x80, $0x38;
	[tilespmem:$0x10400] =	vst v63  }
0x55: {  	s8 =	sadd.s32 s3, s31;
	s15 =	spop (v2sf);
	s7 =	sand.u32 $0x1FFFFFF0, s10  }
0x56: {  	[tilespmem:s13], [sflag:$0x2] =	stream.linear.gather [hbm4b:s8+s1], $0x80, $0x38;
	[tilespmem:$0x10400] =	vst v63  }
0x57: {  	s16 =	spop (v2sf);
	s7 =	sadd.s32 s4, s7;
	s8 =	sand.u32 $0x1FFFFFF0, s15  }
0x58: {  	[tilespmem:s9], [sflag:$0x4] =	stream.linear.gather [hbm4b:s7+s1], $0x80, $0x38;
	[tilespmem:$0x10400] =	vst v63  }
0x59: {  	s18 =	sand.u32 $0x1FFFFFF0, s16;
	s17 =	sadd.s32 s3, s8;
	s19 =	spop (v2sf)  }
0x5a: {  	[tilespmem:s14], [sflag:$0x1] =	stream.linear.gather [hbm4b:s17+s1], $0x80, $0x38;
	[tilespmem:$0x10400] =	vst v63  }
0x5b: {  	s22 =	sadd.s32 s4, s18;
	s8 =	sand.u32 $0x1FFFFFF0, s19;
	s23 =	spop (v2sf)  }
0x5c: {  	(v2sf) =	vpush v1, $0xD;
	[tilespmem:s0], [sflag:$0x3] =	stream.linear.gather [hbm4b:s22+s1], $0x80, $0x38;
	[tilespmem:$0x10400] =	vst v63  }
0x5d: {  	s24 =	simm.s32 $0x980;
	(v2sf) =	vpush v63, $0xD;
	s25 =	sadd.s32 s3, s8;
	s7 =	sand.u32 $0x1FFFFFF0, s23  }
0x5e: {  	(v2sf) =	vpush v1, $0xE;
	[tilespmem:s24], [sflag:$0x2] =	stream.linear.gather [hbm4b:s25+s1], $0x80, $0x38;
	[tilespmem:$0x10400] =	vst v63  }
0x5f: {  	s26 =	sadd.s32 s4, s7;
	(v2sf) =	vpush v63, $0xE;
	s31 =	spop (v2sf);
	s25 =	simm.s32 $0x10  }
0x60: {  	(v2sf) =	vpush v1, $0xF;
	[tilespmem:s5], [sflag:$0x4] =	stream.linear.gather [hbm4b:s26+s1], $0x80, $0x38;
	[tilespmem:$0x10400] =	vst v63  }
0x61: {  	s0 =	sand.u32 $0x1FFFFFF0, s31;
	s2 =	spop (v2sf);
	(v2sf) =	vpush v63, $0xF;
	s26 =	simm.s32 $0x210  }
.LBB2_2:
0x62: {  	_ =	sdelay $0x4  }
0x63: {  	s0 =	sadd.s32 s3, s0;
	s2 =	sand.u32 $0x1FFFFFF0, s2  }
0x64: {  	[tilespmem:s30], [sflag:$0x1] =	stream.linear.gather [hbm4b:s0+s1], $0x80, $0x38;
	[tilespmem:$0x10400] =	vst v63  }
0x65: {  	s2 =	sadd.s32 s4, s2  }
0x66: {  	[tilespmem:s6], [sflag:$0x3] =	stream.linear.gather [hbm4b:s2+s1], $0x80, $0x38;
	[tilespmem:$0x10400] =	vst v63  }
0x67: {  	s5 =	spop (v2sf)  }
0x68: {  	s5 =	sand.u32 $0x1FFFFFF0, s5;
	s7 =	spop (v2sf)  }
0x69: {  	s8 =	sadd.s32 s3, s5;
	s9 =	sand.u32 $0x1FFFFFF0, s7;
	s10 =	spop (v2sf)  }
0x6a: {  	[tilespmem:s12], [sflag:$0x2] =	stream.linear.gather [hbm4b:s8+s1], $0x80, $0x38;
	[tilespmem:$0x10400] =	vst v63  }
0x6b: {  	s12 =	sadd.s32 s4, s9;
	s13 =	sand.u32 $0x1FFFFFF0, s10;
	s14 =	spop (v2sf)  }
0x6c: {  	[tilespmem:s11], [sflag:$0x4] =	stream.linear.gather [hbm4b:s12+s1], $0x80, $0x38;
	[tilespmem:$0x10400] =	vst v63  }
0x6d: {  	s15 =	sadd.s32 s3, s13;
	s16 =	sand.u32 $0x1FFFFFF0, s14;
	s17 =	spop (v2sf)  }
0x6e: {  	[tilespmem:s29], [sflag:$0x1] =	stream.linear.gather [hbm4b:s15+s1], $0x80, $0x38;
	[tilespmem:$0x10400] =	vst v63  }
0x6f: {  	s18 =	sadd.s32 s4, s16;
	s19 =	sand.u32 $0x1FFFFFF0, s17;
	s22 =	spop (v2sf)  }
0x70: {  	[tilespmem:s28], [sflag:$0x3] =	stream.linear.gather [hbm4b:s18+s1], $0x80, $0x38;
	[tilespmem:$0x10400] =	vst v63  }
0x71: {  	s23 =	sadd.s32 $0xB80, s20;
	s2 =	sadd.s32 s3, s19;
	s5 =	sand.u32 $0x1FFFFFF0, s22  }
0x72: {  	[tilespmem:s23], [sflag:$0x2] =	stream.linear.gather [hbm4b:s2+s1], $0x80, $0x38;
	[tilespmem:$0x10400] =	vst v63  }
0x73: {  	s24 =	sadd.s32 $0x8B80, s20;
	s31 =	sadd.s32 s4, s5  }
0x74: {  	[tilespmem:s24], [sflag:$0x4] =	stream.linear.gather [hbm4b:s31+s1], $0x80, $0x38;
	[tilespmem:$0x10400] =	vst v63  }
0x75: {  	v0 =	vld [tilespmem:s25+$0x0]  }
0x76: {  	v2 =	vld [tilespmem:s26+$0x0];
	_ =	sdelay $0x3  }
0x77: {  	v1 =	vshll.u32 v0, $0x4  }
0x78: {  	s5 =	smov.u32 s21;
	v63 =	vshll.u32 v2, $0x4;
	(v2sf) =	vpush v1, $0x0  }
0x79: {  	s20 =	sshra.s32 s5, $0x2;
	(v2sf) =	vpush v63, $0x0  }
0x7a: {  	p0 =	sne.s32 s21, $0x1E000;
	s21 =	sadd.s32 $0x2000, s21;
	s0 =	sadd.s32 $0x680, s20;
	(v2sf) =	vpush v1, $0x1  }
0x7b: {  	s6 =	sadd.s32 $0x880, s20;
	s15 =	sadd.s32 $0x400, s20;
	s16 =	sadd.s32 $0x600, s20  }
0x7c: {  	s7 =	sadd.s32 $0x8900, s20;
	s19 =	sadd.s32 $0x8580, s20;
	s8 =	sadd.s32 $0x8A00, s20;
	(v2sf) =	vpush v63, $0x1  }
0x7d: {  	s22 =	sadd.s32 $0x500, s20;
	s17 =	sadd.s32 $0x8600, s20;
	s12 =	sadd.s32 $0xA80, s20  }
0x7e: {  	s14 =	sadd.s32 $0x8680, s20;
	s13 =	sadd.s32 $0x700, s20;
	[dreg:$0x14] =	wrdreg s0;
	(v2sf) =	vpush v1, $0x2  }
0x7f: {  	s9 =	sadd.s32 $0x8980, s20;
	s11 =	sadd.s32 $0x8700, s20;
	[dreg:$0xa] =	wrdreg s6  }
0x80: {  	s10 =	sadd.s32 $0x8880, s20;
	s18 =	sadd.s32 $0x900, s20;
	[dreg:$0x6] =	wrdreg s7;
	(v2sf) =	vpush v63, $0x2  }
0x81: {  	s30 =	sadd.s32 $0xA00, s20;
	s29 =	sadd.s32 $0xB00, s20;
	[dreg:$0x4] =	wrdreg s8  }
0x82: {  	s28 =	sadd.s32 $0x8B00, s20;
	s5 =	sadd.s32 $0x980, s20;
	[dreg:$0x8] =	wrdreg s9;
	(v2sf) =	vpush v1, $0x3  }
0x83: {  	s7 =	sadd.s32 $0x580, s20;
	s0 =	sadd.s32 $0x8500, s20;
	[dreg:$0xe] =	wrdreg s10  }
0x84: {  	s8 =	sadd.s32 $0x8A80, s20;
	[dreg:$0xc] =	wrdreg s18;
	s10 =	sadd.s32 $0x780, s20;
	(v2sf) =	vpush v63, $0x3  }
0x85: {  	s18 =	sadd.s32 $0x480, s20;
	s9 =	sadd.s32 $0x8780, s20;
	s23 =	sadd.s32 $0x8800, s20;
	(v2sf) =	vpush v1, $0x4  }
0x86: {  	s2 =	sadd.s32 $0x8480, s20;
	[dreg:$0x10] =	wrdreg s23;
	s24 =	sadd.s32 $0x800, s20  }
0x87: {  	s31 =	sadd.s32 $0x8400, s20;
	[dreg:$0x12] =	wrdreg s24;
	s6 =	spop (v2sf)  }
0x88: {  	s25 =	sadd.s32 $0x10, s25;
	s23 =	sand.u32 $0x1FFFFFF0, s6;
	s24 =	spop (v2sf)  }
0x89: {  	(v2sf) =	vpush v63, $0x4;
	s23 =	sadd.s32 s3, s23;
	s24 =	sand.u32 $0x1FFFFFF0, s24;
	s6 =	spop (v2sf)  }
0x8a: {  	[tilespmem:s15], [sflag:$0x1] =	stream.linear.gather [hbm4b:s23+s1], $0x80, $0x38;
	[tilespmem:$0x10400] =	vst v63  }
0x8b: {  	(v2sf) =	vpush v1, $0x5;
	s23 =	sadd.s32 s4, s24;
	s6 =	sand.u32 $0x1FFFFFF0, s6;
	s24 =	spop (v2sf)  }
0x8c: {  	[tilespmem:s31], [sflag:$0x3] =	stream.linear.gather [hbm4b:s23+s1], $0x80, $0x38;
	[tilespmem:$0x10400] =	vst v63  }
0x8d: {  	(v2sf) =	vpush v63, $0x5;
	s6 =	sadd.s32 s3, s6;
	s24 =	sand.u32 $0x1FFFFFF0, s24;
	s31 =	spop (v2sf)  }
0x8e: {  	[tilespmem:s18], [sflag:$0x2] =	stream.linear.gather [hbm4b:s6+s1], $0x80, $0x38;
	[tilespmem:$0x10400] =	vst v63  }
0x8f: {  	(v2sf) =	vpush v1, $0x6;
	s18 =	sadd.s32 s4, s24;
	s24 =	sand.u32 $0x1FFFFFF0, s31;
	s31 =	spop (v2sf)  }
0x90: {  	[tilespmem:s2], [sflag:$0x4] =	stream.linear.gather [hbm4b:s18+s1], $0x80, $0x38;
	[tilespmem:$0x10400] =	vst v63  }
0x91: {  	(v2sf) =	vpush v63, $0x6;
	s23 =	sadd.s32 s3, s24;
	s24 =	sand.u32 $0x1FFFFFF0, s31;
	s31 =	spop (v2sf)  }
0x92: {  	[tilespmem:s22], [sflag:$0x1] =	stream.linear.gather [hbm4b:s23+s1], $0x80, $0x38;
	[tilespmem:$0x10400] =	vst v63  }
0x93: {  	s26 =	sadd.s32 $0x10, s26;
	(v2sf) =	vpush v1, $0x7;
	s6 =	sadd.s32 s4, s24;
	s22 =	spop (v2sf)  }
0x94: {  	s18 =	sand.u32 $0x1FFFFFF0, s31;
	(v2sf) =	vpush v63, $0x7;
	s24 =	sand.u32 $0x1FFFFFF0, s22;
	s31 =	spop (v2sf)  }
0x95: {  	[tilespmem:s0], [sflag:$0x3] =	stream.linear.gather [hbm4b:s6+s1], $0x80, $0x38;
	[tilespmem:$0x10400] =	vst v63  }
0x96: {  	s23 =	sadd.s32 s3, s18;
	(v2sf) =	vpush v1, $0x8;
	s15 =	sadd.s32 s4, s24;
	s18 =	sand.u32 $0x1FFFFFF0, s31  }
0x97: {  	[tilespmem:s7], [sflag:$0x2] =	stream.linear.gather [hbm4b:s23+s1], $0x80, $0x38;
	[tilespmem:$0x10400] =	vst v63  }
0x98: {  	s6 =	rddreg [dreg:$0x4];
	s23 =	sadd.s32 s3, s18;
	s22 =	spop (v2sf)  }
0x99: {  	[tilespmem:s19], [sflag:$0x4] =	stream.linear.gather [hbm4b:s15+s1], $0x80, $0x38;
	[tilespmem:$0x10400] =	vst v63  }
0x9a: {  	(v2sf) =	vpush v63, $0x8;
	s24 =	sand.u32 $0x1FFFFFF0, s22;
	s31 =	spop (v2sf);
	s22 =	rddreg [dreg:$0x14]  }
0x9b: {  	[tilespmem:s16], [sflag:$0x1] =	stream.linear.gather [hbm4b:s23+s1], $0x80, $0x38;
	[tilespmem:$0x10400] =	vst v63  }
0x9c: {  	(v2sf) =	vpush v1, $0x9;
	s7 =	sadd.s32 s4, s24;
	s15 =	sand.u32 $0x1FFFFFF0, s31;
	s16 =	spop (v2sf)  }
0x9d: {  	[tilespmem:s17], [sflag:$0x3] =	stream.linear.gather [hbm4b:s7+s1], $0x80, $0x38;
	[tilespmem:$0x10400] =	vst v63  }
0x9e: {  	s18 =	sand.u32 $0x1FFFFFF0, s16;
	s19 =	spop (v2sf);
	s17 =	sadd.s32 s3, s15  }
0x9f: {  	(v2sf) =	vpush v63, $0x9;
	[tilespmem:s22], [sflag:$0x2] =	stream.linear.gather [hbm4b:s17+s1], $0x80, $0x38;
	[tilespmem:$0x10400] =	vst v63  }
0xa0: {  	s23 =	sadd.s32 s4, s18;
	s24 =	sand.u32 $0x1FFFFFF0, s19;
	s31 =	spop (v2sf)  }
0xa1: {  	(v2sf) =	vpush v1, $0xA;
	[tilespmem:s14], [sflag:$0x4] =	stream.linear.gather [hbm4b:s23+s1], $0x80, $0x38;
	[tilespmem:$0x10400] =	vst v63  }
0xa2: {  	s2 =	sadd.s32 s3, s24;
	s7 =	sand.u32 $0x1FFFFFF0, s31;
	s14 =	spop (v2sf)  }
0xa3: {  	(v2sf) =	vpush v63, $0xA;
	s15 =	sadd.s32 s4, s7;
	s16 =	sand.u32 $0x1FFFFFF0, s14;
	s17 =	spop (v2sf)  }
0xa4: {  	[tilespmem:s13], [sflag:$0x1] =	stream.linear.gather [hbm4b:s2+s1], $0x80, $0x38;
	[tilespmem:$0x10400] =	vst v63  }
0xa5: {  	s18 =	sadd.s32 s3, s16;
	s19 =	sand.u32 $0x1FFFFFF0, s17;
	s22 =	spop (v2sf)  }
0xa6: {  	[tilespmem:s11], [sflag:$0x3] =	stream.linear.gather [hbm4b:s15+s1], $0x80, $0x38;
	[tilespmem:$0x10400] =	vst v63  }
0xa7: {  	(v2sf) =	vpush v1, $0xB;
	s16 =	rddreg [dreg:$0x10];
	s23 =	sadd.s32 s4, s19;
	s24 =	sand.u32 $0x1FFFFFF0, s22  }
0xa8: {  	[tilespmem:s10], [sflag:$0x2] =	stream.linear.gather [hbm4b:s18+s1], $0x80, $0x38;
	[tilespmem:$0x10400] =	vst v63  }
0xa9: {  	(v2sf) =	vpush v63, $0xB;
	s22 =	rddreg [dreg:$0xa];
	s11 =	smov.u32 s8;
	s31 =	spop (v2sf)  }
0xaa: {  	(v2sf) =	vpush v1, $0xC;
	[tilespmem:s9], [sflag:$0x4] =	stream.linear.gather [hbm4b:s23+s1], $0x80, $0x38;
	[tilespmem:$0x10400] =	vst v63  }
0xab: {  	s7 =	sadd.s32 s3, s24;
	s8 =	sand.u32 $0x1FFFFFF0, s31;
	s9 =	spop (v2sf)  }
0xac: {  	(v2sf) =	vpush v63, $0xC;
	s10 =	rddreg [dreg:$0x12];
	s13 =	sadd.s32 s4, s8;
	s14 =	sand.u32 $0x1FFFFFF0, s9  }
0xad: {  	[tilespmem:s10], [sflag:$0x1] =	stream.linear.gather [hbm4b:s7+s1], $0x80, $0x38;
	[tilespmem:$0x10400] =	vst v63  }
0xae: {  	s8 =	rddreg [dreg:$0xe];
	s15 =	spop (v2sf);
	s17 =	sadd.s32 s3, s14  }
0xaf: {  	[tilespmem:s16], [sflag:$0x3] =	stream.linear.gather [hbm4b:s13+s1], $0x80, $0x38;
	[tilespmem:$0x10400] =	vst v63  }
0xb0: {  	s18 =	sand.u32 $0x1FFFFFF0, s15;
	s19 =	spop (v2sf);
	s14 =	rddreg [dreg:$0xc]  }
0xb1: {  	[tilespmem:s22], [sflag:$0x2] =	stream.linear.gather [hbm4b:s17+s1], $0x80, $0x38;
	[tilespmem:$0x10400] =	vst v63  }
0xb2: {  	s23 =	sadd.s32 s4, s18;
	s24 =	sand.u32 $0x1FFFFFF0, s19;
	s31 =	spop (v2sf)  }
0xb3: {  	[tilespmem:s8], [sflag:$0x4] =	stream.linear.gather [hbm4b:s23+s1], $0x80, $0x38;
	[tilespmem:$0x10400] =	vst v63  }
0xb4: {  	s18 =	rddreg [dreg:$0x6];
	s9 =	sadd.s32 s3, s24;
	s10 =	sand.u32 $0x1FFFFFF0, s31  }
0xb5: {  	[tilespmem:s14], [sflag:$0x1] =	stream.linear.gather [hbm4b:s9+s1], $0x80, $0x38;
	[tilespmem:$0x10400] =	vst v63  }
0xb6: {  	s31 =	rddreg [dreg:$0x8];
	s15 =	sadd.s32 s4, s10;
	s13 =	spop (v2sf)  }
0xb7: {  	(v2sf) =	vpush v1, $0xD;
	[tilespmem:s18], [sflag:$0x3] =	stream.linear.gather [hbm4b:s15+s1], $0x80, $0x38;
	[tilespmem:$0x10400] =	vst v63  }
.Ltmp0:
0xb8: {  	(v2sf) =	vpush v63, $0xD;
	s16 =	sand.u32 $0x1FFFFFF0, s13;
	s17 =	spop (v2sf);
	(pc) =	sbr.rel @p0 .LBB2_2-.Ltmp0, $4  }
0xb9: {  	(v2sf) =	vpush v1, $0xE;
	s19 =	sadd.s32 s3, s16;
	s22 =	sand.u32 $0x1FFFFFF0, s17;
	s23 =	spop (v2sf)  }
0xba: {  	(v2sf) =	vpush v63, $0xE;
	[tilespmem:s5], [sflag:$0x2] =	stream.linear.gather [hbm4b:s19+s1], $0x80, $0x38;
	[tilespmem:$0x10400] =	vst v63  }
0xbb: {  	(v2sf) =	vpush v1, $0xF;
	s24 =	sadd.s32 s4, s22;
	s0 =	sand.u32 $0x1FFFFFF0, s23;
	s2 =	spop (v2sf)  }
0xbc: {  	(v2sf) =	vpush v63, $0xF;
	[tilespmem:s31], [sflag:$0x4] =	stream.linear.gather [hbm4b:s24+s1], $0x80, $0x38;
	[tilespmem:$0x10400] =	vst v63  }
0xbd: {  	_ =	sdelay $0x4  }
0xbe: {  	s0 =	sadd.s32 s3, s0;
	s2 =	sand.u32 $0x1FFFFFF0, s2  }
0xbf: {  	[tilespmem:s30], [sflag:$0x1] =	stream.linear.gather [hbm4b:s0+s1], $0x80, $0x38;
	[tilespmem:$0x10400] =	vst v63  }
0xc0: {  	s9 =	sadd.s32 s4, s2  }
0xc1: {  	[tilespmem:s6], [sflag:$0x3] =	stream.linear.gather [hbm4b:s9+s1], $0x80, $0x38;
	[tilespmem:$0x10400] =	vst v63  }
0xc2: {  	s5 =	spop (v2sf)  }
0xc3: {  	s10 =	sand.u32 $0x1FFFFFF0, s5;
	s13 =	spop (v2sf)  }
0xc4: {  	s14 =	sadd.s32 s3, s10;
	s15 =	sand.u32 $0x1FFFFFF0, s13;
	s16 =	spop (v2sf)  }
0xc5: {  	[tilespmem:s12], [sflag:$0x2] =	stream.linear.gather [hbm4b:s14+s1], $0x80, $0x38;
	[tilespmem:$0x10400] =	vst v63  }
0xc6: {  	s17 =	sadd.s32 s4, s15;
	s18 =	sand.u32 $0x1FFFFFF0, s16;
	s19 =	spop (v2sf)  }
0xc7: {  	[tilespmem:s11], [sflag:$0x4] =	stream.linear.gather [hbm4b:s17+s1], $0x80, $0x38;
	[tilespmem:$0x10400] =	vst v63  }
0xc8: {  	s21 =	sadd.s32 s3, s18;
	s22 =	sand.u32 $0x1FFFFFF0, s19;
	s23 =	spop (v2sf)  }
0xc9: {  	[tilespmem:s29], [sflag:$0x1] =	stream.linear.gather [hbm4b:s21+s1], $0x80, $0x38;
	[tilespmem:$0x10400] =	vst v63  }
0xca: {  	s24 =	sadd.s32 s4, s22;
	s25 =	sand.u32 $0x1FFFFFF0, s23;
	s26 =	spop (v2sf)  }
0xcb: {  	[tilespmem:s28], [sflag:$0x3] =	stream.linear.gather [hbm4b:s24+s1], $0x80, $0x38;
	[tilespmem:$0x10400] =	vst v63  }
0xcc: {  	s31 =	sadd.s32 $0xB80, s20;
	s2 =	sadd.s32 s3, s25;
	s5 =	sand.u32 $0x1FFFFFF0, s26  }
0xcd: {  	[tilespmem:s31], [sflag:$0x2] =	stream.linear.gather [hbm4b:s2+s1], $0x80, $0x38;
	[tilespmem:$0x10400] =	vst v63  }
0xce: {  	s7 =	simm.s32 $0x1;
	s6 =	sadd.s32 s4, s5;
	s2 =	sadd.s32 $0x8B80, s20  }
0xcf: {  	[tilespmem:s2], [sflag:$0x4] =	stream.linear.gather [hbm4b:s6+s1], $0x80, $0x38;
	[tilespmem:$0x10400] =	vst v63  }
0xd0: {  	_ =	swait.ge [sflag:s7], $0x4000  }
0xd1: {  	[sflag:s7] =	ssyncset.done $0x0  }
0xd2: {  	s8 =	simm.s32 $0x2;
	[sflag:s7] =	ssyncadd.s32 $0xFFFFC000  }
0xd3: {  	_ =	swait.ge [sflag:s8], $0x4000  }
0xd4: {  	s9 =	simm.s32 $0x0;
	s12 =	simm.s32 $0x5;
	[sflag:s8] =	ssyncset.done $0x0  }
0xd5: {  	s11 =	simm.s32 $0x400;
	s10 =	rddreg [dreg:$0x18];
	[sflag:s8] =	ssyncadd.s32 $0xFFFFC000  }
0xd6: {  	[hbm4b:s10+s9] =	stream.linear.scatter [tilespmem:s11], [sflag:$0x5], $0x8000, $0x38;
	[tilespmem:$0x10400] =	vst v63  }
0xd7: {  	_ =	swait.ge [sflag:s12], $0x8000  }
0xd8: {  	[sflag:s12] =	ssyncset.done $0x0  }
0xd9: {  	s13 =	simm.s32 $0x3;
	[sflag:s12] =	ssyncadd.s32 $0xFFFF8000  }
0xda: {  	_ =	swait.ge [sflag:s13], $0x4000  }
0xdb: {  	[sflag:s13] =	ssyncset.done $0x0  }
0xdc: {  	s14 =	simm.s32 $0x4;
	[sflag:s13] =	ssyncadd.s32 $0xFFFFC000  }
0xdd: {  	_ =	swait.ge [sflag:s14], $0x4000  }
0xde: {  	[sflag:s14] =	ssyncset.done $0x0  }
0xdf: {  	s16 =	simm.s32 $0x8400;
	s15 =	rddreg [dreg:$0x19];
	[sflag:s14] =	ssyncadd.s32 $0xFFFFC000  }
0xe0: {  	[hbm4b:s15+s9] =	stream.linear.scatter [tilespmem:s16], [sflag:$0x5], $0x8000, $0x38;
	[tilespmem:$0x10400] =	vst v63  }
0xe1: {  	_ =	swait.ge [sflag:s12], $0x8000  }
0xe2: {  	[sflag:s12] =	ssyncset.done $0x0  }
0xe3: {  	s17 =	simm.s32 $0x100;
	[sflag:s12] =	ssyncadd.s32 $0xFFFF8000  }
0xe4: {  	s18 =	simm.s32 $0x300;
	v0 =	vld [tilespmem:s17+$0x0]  }
0xe5: {  	v2 =	vld [tilespmem:s18+$0x0];
	_ =	sdelay $0x3  }
0xe6: {  	v1 =	vshll.u32 v0, $0x4  }
0xe7: {  	v63 =	vshll.u32 v2, $0x4;
	(v2sf) =	vpush v1, $0x0  }
0xe8: {  	(v2sf) =	vpush v63, $0x0  }
0xe9: {  	(v2sf) =	vpush v1, $0x1;
	_ =	sdelay $0x1  }
0xea: {  	(v2sf) =	vpush v63, $0x1  }
0xeb: {  	(v2sf) =	vpush v1, $0x2;
	_ =	sdelay $0x1  }
0xec: {  	(v2sf) =	vpush v63, $0x2;
	_ =	sdelay $0x1  }
0xed: {  	(v2sf) =	vpush v1, $0x3  }
0xee: {  	s0 =	simm.s32 $0x8900  }
0xef: {  	s30 =	simm.s32 $0xA00;
	s19 =	simm.s32 $0x8400;
	s26 =	simm.s32 $0x480;
	(v2sf) =	vpush v63, $0x3  }
0xf0: {  	s21 =	simm.s32 $0x2000;
	s5 =	simm.s32 $0x680;
	s29 =	simm.s32 $0xB00  }
0xf1: {  	s28 =	simm.s32 $0x8B00;
	s20 =	simm.s32 $0x0;
	s7 =	simm.s32 $0x400  }
0xf2: {  	s10 =	simm.s32 $0x580;
	s13 =	simm.s32 $0x880;
	s9 =	simm.s32 $0x600  }
0xf3: {  	s15 =	simm.s32 $0x500;
	s12 =	simm.s32 $0x8480;
	s8 =	spop (v2sf)  }
0xf4: {  	s18 =	simm.s32 $0x8500;
	s8 =	sand.u32 $0x1FFFFFF0, s8;
	s22 =	spop (v2sf)  }
0xf5: {  	(v2sf) =	vpush v1, $0x4;
	s8 =	sadd.s32 s3, s8;
	s23 =	sand.u32 $0x1FFFFFF0, s22;
	s24 =	spop (v2sf)  }
0xf6: {  	(v2sf) =	vpush v63, $0x4;
	[tilespmem:s7], [sflag:$0x1] =	stream.linear.gather [hbm4b:s8+s1], $0x80, $0x38;
	[tilespmem:$0x10400] =	vst v63  }
0xf7: {  	s7 =	simm.s32 $0x8580;
	s11 =	sand.u32 $0x1FFFFFF0, s24;
	s25 =	spop (v2sf)  }
0xf8: {  	s8 =	sadd.s32 s4, s23;
	(v2sf) =	vpush v1, $0x5;
	s31 =	sadd.s32 s3, s11;
	s14 =	spop (v2sf)  }
0xf9: {  	[tilespmem:s19], [sflag:$0x3] =	stream.linear.gather [hbm4b:s8+s1], $0x80, $0x38;
	[tilespmem:$0x10400] =	vst v63  }
0xfa: {  	s6 =	sand.u32 $0x1FFFFFF0, s25;
	s25 =	simm.s32 $0x8600;
	s16 =	spop (v2sf)  }
0xfb: {  	(v2sf) =	vpush v63, $0x5;
	[tilespmem:s26], [sflag:$0x2] =	stream.linear.gather [hbm4b:s31+s1], $0x80, $0x38;
	[tilespmem:$0x10400] =	vst v63  }
0xfc: {  	s11 =	sadd.s32 s4, s6;
	(v2sf) =	vpush v1, $0x6;
	s8 =	sand.u32 $0x1FFFFFF0, s14;
	s17 =	spop (v2sf)  }
0xfd: {  	[tilespmem:s12], [sflag:$0x4] =	stream.linear.gather [hbm4b:s11+s1], $0x80, $0x38;
	[tilespmem:$0x10400] =	vst v63  }
0xfe: {  	s8 =	sadd.s32 s3, s8;
	(v2sf) =	vpush v63, $0x6;
	s23 =	spop (v2sf);
	s11 =	sand.u32 $0x1FFFFFF0, s16  }
0xff: {  	[tilespmem:s15], [sflag:$0x1] =	stream.linear.gather [hbm4b:s8+s1], $0x80, $0x38;
	[tilespmem:$0x10400] =	vst v63  }
0x100: {  	s22 =	sand.u32 $0x1FFFFFF0, s17;
	s2 =	sand.u32 $0x1FFFFFF0, s23;
	s19 =	sadd.s32 s4, s11  }
0x101: {  	(v2sf) =	vpush v1, $0x7;
	[tilespmem:s18], [sflag:$0x3] =	stream.linear.gather [hbm4b:s19+s1], $0x80, $0x38;
	[tilespmem:$0x10400] =	vst v63  }
0x102: {  	s6 =	simm.s32 $0x8A00;
	s24 =	sadd.s32 s3, s22;
	s2 =	sadd.s32 s4, s2  }
0x103: {  	(v2sf) =	vpush v63, $0x7;
	[tilespmem:s10], [sflag:$0x2] =	stream.linear.gather [hbm4b:s24+s1], $0x80, $0x38;
	[tilespmem:$0x10400] =	vst v63  }
0x104: {  	s12 =	simm.s32 $0xA80;
	s16 =	simm.s32 $0x8680;
	s26 =	spop (v2sf)  }
0x105: {  	s11 =	simm.s32 $0x8A80;
	s10 =	sand.u32 $0x1FFFFFF0, s26;
	s31 =	spop (v2sf)  }
0x106: {  	[tilespmem:s7], [sflag:$0x4] =	stream.linear.gather [hbm4b:s2+s1], $0x80, $0x38;
	[tilespmem:$0x10400] =	vst v63  }
0x107: {  	(v2sf) =	vpush v1, $0x8;
	s14 =	sadd.s32 s3, s10;
	s15 =	sand.u32 $0x1FFFFFF0, s31;
	s17 =	spop (v2sf)  }
0x108: {  	[tilespmem:s9], [sflag:$0x1] =	stream.linear.gather [hbm4b:s14+s1], $0x80, $0x38;
	[tilespmem:$0x10400] =	vst v63  }
0x109: {  	s18 =	simm.s32 $0x700;
	(v2sf) =	vpush v63, $0x8;
	s7 =	sadd.s32 s4, s15;
	s19 =	sand.u32 $0x1FFFFFF0, s17  }
0x10a: {  	s15 =	simm.s32 $0x780;
	s22 =	spop (v2sf);
	s8 =	sadd.s32 s3, s19  }
0x10b: {  	(v2sf) =	vpush v1, $0x9;
	s9 =	sand.u32 $0x1FFFFFF0, s22;
	s23 =	spop (v2sf);
	s22 =	simm.s32 $0x800  }
0x10c: {  	[tilespmem:s25], [sflag:$0x3] =	stream.linear.gather [hbm4b:s7+s1], $0x80, $0x38;
	[tilespmem:$0x10400] =	vst v63  }
0x10d: {  	(v2sf) =	vpush v63, $0x9;
	s24 =	sadd.s32 s4, s9;
	s25 =	sand.u32 $0x1FFFFFF0, s23;
	s26 =	spop (v2sf)  }
0x10e: {  	s9 =	simm.s32 $0x8700;
	s31 =	sadd.s32 s3, s25;
	s2 =	sand.u32 $0x1FFFFFF0, s26  }
0x10f: {  	(v2sf) =	vpush v1, $0xA;
	[tilespmem:s5], [sflag:$0x2] =	stream.linear.gather [hbm4b:s8+s1], $0x80, $0x38;
	[tilespmem:$0x10400] =	vst v63  }
0x110: {  	s10 =	spop (v2sf);
	s25 =	simm.s32 $0x8800;
	s5 =	simm.s32 $0x8980  }
0x111: {  	(v2sf) =	vpush v63, $0xA;
	[tilespmem:s16], [sflag:$0x4] =	stream.linear.gather [hbm4b:s24+s1], $0x80, $0x38;
	[tilespmem:$0x10400] =	vst v63  }
0x112: {  	s2 =	sadd.s32 s4, s2;
	s8 =	sand.u32 $0x1FFFFFF0, s10;
	s14 =	spop (v2sf)  }
0x113: {  	(v2sf) =	vpush v1, $0xB;
	[tilespmem:s18], [sflag:$0x1] =	stream.linear.gather [hbm4b:s31+s1], $0x80, $0x38;
	[tilespmem:$0x10400] =	vst v63  }
0x114: {  	s17 =	sand.u32 $0x1FFFFFF0, s14;
	s14 =	simm.s32 $0x900;
	s16 =	sadd.s32 s3, s8  }
0x115: {  	(v2sf) =	vpush v63, $0xB;
	[tilespmem:s9], [sflag:$0x3] =	stream.linear.gather [hbm4b:s2+s1], $0x80, $0x38;
	[tilespmem:$0x10400] =	vst v63  }
0x116: {  	s8 =	sadd.s32 s4, s17;
	s18 =	simm.s32 $0x8780;
	s19 =	spop (v2sf)  }
0x117: {  	[tilespmem:s15], [sflag:$0x2] =	stream.linear.gather [hbm4b:s16+s1], $0x80, $0x38;
	[tilespmem:$0x10400] =	vst v63  }
0x118: {  	s9 =	simm.s32 $0x8880;
	s7 =	sand.u32 $0x1FFFFFF0, s19;
	s23 =	spop (v2sf)  }
0x119: {  	(v2sf) =	vpush v1, $0xC;
	[tilespmem:s18], [sflag:$0x4] =	stream.linear.gather [hbm4b:s8+s1], $0x80, $0x38;
	[tilespmem:$0x10400] =	vst v63  }
0x11a: {  	s7 =	sadd.s32 s3, s7;
	s8 =	sand.u32 $0x1FFFFFF0, s23;
	s24 =	spop (v2sf)  }
0x11b: {  	(v2sf) =	vpush v63, $0xC;
	[tilespmem:s22], [sflag:$0x1] =	stream.linear.gather [hbm4b:s7+s1], $0x80, $0x38;
	[tilespmem:$0x10400] =	vst v63  }
0x11c: {  	s26 =	sadd.s32 s4, s8;
	s31 =	sand.u32 $0x1FFFFFF0, s24;
	s10 =	spop (v2sf)  }
0x11d: {  	[tilespmem:s25], [sflag:$0x3] =	stream.linear.gather [hbm4b:s26+s1], $0x80, $0x38;
	[tilespmem:$0x10400] =	vst v63  }
0x11e: {  	s8 =	sadd.s32 s3, s31;
	s7 =	sand.u32 $0x1FFFFFF0, s10;
	s15 =	spop (v2sf)  }
0x11f: {  	[tilespmem:s13], [sflag:$0x2] =	stream.linear.gather [hbm4b:s8+s1], $0x80, $0x38;
	[tilespmem:$0x10400] =	vst v63  }
0x120: {  	s7 =	sadd.s32 s4, s7;
	s16 =	spop (v2sf);
	s8 =	sand.u32 $0x1FFFFFF0, s15  }
0x121: {  	[tilespmem:s9], [sflag:$0x4] =	stream.linear.gather [hbm4b:s7+s1], $0x80, $0x38;
	[tilespmem:$0x10400] =	vst v63  }
0x122: {  	s18 =	sand.u32 $0x1FFFFFF0, s16;
	s19 =	spop (v2sf);
	s17 =	sadd.s32 s3, s8  }
0x123: {  	[tilespmem:s14], [sflag:$0x1] =	stream.linear.gather [hbm4b:s17+s1], $0x80, $0x38;
	[tilespmem:$0x10400] =	vst v63  }
0x124: {  	s22 =	sadd.s32 s4, s18;
	s23 =	spop (v2sf);
	s8 =	sand.u32 $0x1FFFFFF0, s19  }
0x125: {  	(v2sf) =	vpush v1, $0xD;
	[tilespmem:s0], [sflag:$0x3] =	stream.linear.gather [hbm4b:s22+s1], $0x80, $0x38;
	[tilespmem:$0x10400] =	vst v63  }
0x126: {  	s24 =	simm.s32 $0x980;
	(v2sf) =	vpush v63, $0xD;
	s25 =	sadd.s32 s3, s8;
	s7 =	sand.u32 $0x1FFFFFF0, s23  }
0x127: {  	(v2sf) =	vpush v1, $0xE;
	[tilespmem:s24], [sflag:$0x2] =	stream.linear.gather [hbm4b:s25+s1], $0x80, $0x38;
	[tilespmem:$0x10400] =	vst v63  }
0x128: {  	(v2sf) =	vpush v63, $0xE;
	s26 =	sadd.s32 s4, s7;
	s31 =	spop (v2sf);
	s25 =	simm.s32 $0x110  }
0x129: {  	(v2sf) =	vpush v1, $0xF;
	[tilespmem:s5], [sflag:$0x4] =	stream.linear.gather [hbm4b:s26+s1], $0x80, $0x38;
	[tilespmem:$0x10400] =	vst v63  }
0x12a: {  	(v2sf) =	vpush v63, $0xF;
	s0 =	sand.u32 $0x1FFFFFF0, s31;
	s2 =	spop (v2sf);
	s26 =	simm.s32 $0x310  }
.LBB2_4:
0x12b: {  	_ =	sdelay $0x4  }
0x12c: {  	s0 =	sadd.s32 s3, s0;
	s2 =	sand.u32 $0x1FFFFFF0, s2  }
0x12d: {  	[tilespmem:s30], [sflag:$0x1] =	stream.linear.gather [hbm4b:s0+s1], $0x80, $0x38;
	[tilespmem:$0x10400] =	vst v63  }
0x12e: {  	s2 =	sadd.s32 s4, s2  }
0x12f: {  	[tilespmem:s6], [sflag:$0x3] =	stream.linear.gather [hbm4b:s2+s1], $0x80, $0x38;
	[tilespmem:$0x10400] =	vst v63  }
0x130: {  	s5 =	spop (v2sf)  }
0x131: {  	s5 =	sand.u32 $0x1FFFFFF0, s5;
	s7 =	spop (v2sf)  }
0x132: {  	s8 =	sadd.s32 s3, s5;
	s9 =	sand.u32 $0x1FFFFFF0, s7;
	s10 =	spop (v2sf)  }
0x133: {  	[tilespmem:s12], [sflag:$0x2] =	stream.linear.gather [hbm4b:s8+s1], $0x80, $0x38;
	[tilespmem:$0x10400] =	vst v63  }
0x134: {  	s12 =	sadd.s32 s4, s9;
	s13 =	sand.u32 $0x1FFFFFF0, s10;
	s14 =	spop (v2sf)  }
0x135: {  	[tilespmem:s11], [sflag:$0x4] =	stream.linear.gather [hbm4b:s12+s1], $0x80, $0x38;
	[tilespmem:$0x10400] =	vst v63  }
0x136: {  	s15 =	sadd.s32 s3, s13;
	s16 =	sand.u32 $0x1FFFFFF0, s14;
	s17 =	spop (v2sf)  }
0x137: {  	[tilespmem:s29], [sflag:$0x1] =	stream.linear.gather [hbm4b:s15+s1], $0x80, $0x38;
	[tilespmem:$0x10400] =	vst v63  }
0x138: {  	s18 =	sadd.s32 s4, s16;
	s19 =	sand.u32 $0x1FFFFFF0, s17;
	s22 =	spop (v2sf)  }
0x139: {  	[tilespmem:s28], [sflag:$0x3] =	stream.linear.gather [hbm4b:s18+s1], $0x80, $0x38;
	[tilespmem:$0x10400] =	vst v63  }
0x13a: {  	s23 =	sadd.s32 $0xB80, s20;
	s2 =	sadd.s32 s3, s19;
	s5 =	sand.u32 $0x1FFFFFF0, s22  }
0x13b: {  	[tilespmem:s23], [sflag:$0x2] =	stream.linear.gather [hbm4b:s2+s1], $0x80, $0x38;
	[tilespmem:$0x10400] =	vst v63  }
0x13c: {  	s24 =	sadd.s32 $0x8B80, s20;
	s31 =	sadd.s32 s4, s5  }
0x13d: {  	[tilespmem:s24], [sflag:$0x4] =	stream.linear.gather [hbm4b:s31+s1], $0x80, $0x38;
	[tilespmem:$0x10400] =	vst v63  }
0x13e: {  	v0 =	vld [tilespmem:s25+$0x0]  }
0x13f: {  	v2 =	vld [tilespmem:s26+$0x0];
	_ =	sdelay $0x3  }
0x140: {  	v1 =	vshll.u32 v0, $0x4  }
0x141: {  	s5 =	smov.u32 s21;
	v63 =	vshll.u32 v2, $0x4;
	(v2sf) =	vpush v1, $0x0  }
0x142: {  	s20 =	sshra.s32 s5, $0x2;
	(v2sf) =	vpush v63, $0x0  }
0x143: {  	p0 =	sne.s32 s21, $0x1E000;
	s21 =	sadd.s32 $0x2000, s21;
	s0 =	sadd.s32 $0x680, s20;
	(v2sf) =	vpush v1, $0x1  }
0x144: {  	s6 =	sadd.s32 $0x880, s20;
	s15 =	sadd.s32 $0x400, s20;
	s16 =	sadd.s32 $0x600, s20  }
0x145: {  	s7 =	sadd.s32 $0x8900, s20;
	s19 =	sadd.s32 $0x8580, s20;
	s8 =	sadd.s32 $0x8A00, s20;
	(v2sf) =	vpush v63, $0x1  }
0x146: {  	s22 =	sadd.s32 $0x500, s20;
	s17 =	sadd.s32 $0x8600, s20;
	s12 =	sadd.s32 $0xA80, s20  }
0x147: {  	s14 =	sadd.s32 $0x8680, s20;
	s13 =	sadd.s32 $0x700, s20;
	[dreg:$0x15] =	wrdreg s0;
	(v2sf) =	vpush v1, $0x2  }
0x148: {  	s9 =	sadd.s32 $0x8980, s20;
	s11 =	sadd.s32 $0x8700, s20;
	[dreg:$0xb] =	wrdreg s6  }
0x149: {  	s10 =	sadd.s32 $0x8880, s20;
	s18 =	sadd.s32 $0x900, s20;
	[dreg:$0x7] =	wrdreg s7;
	(v2sf) =	vpush v63, $0x2  }
0x14a: {  	s30 =	sadd.s32 $0xA00, s20;
	s29 =	sadd.s32 $0xB00, s20;
	[dreg:$0x5] =	wrdreg s8  }
0x14b: {  	s28 =	sadd.s32 $0x8B00, s20;
	s5 =	sadd.s32 $0x980, s20;
	[dreg:$0x9] =	wrdreg s9;
	(v2sf) =	vpush v1, $0x3  }
0x14c: {  	s7 =	sadd.s32 $0x580, s20;
	s0 =	sadd.s32 $0x8500, s20;
	[dreg:$0xf] =	wrdreg s10  }
0x14d: {  	s8 =	sadd.s32 $0x8A80, s20;
	[dreg:$0xd] =	wrdreg s18;
	s10 =	sadd.s32 $0x780, s20;
	(v2sf) =	vpush v63, $0x3  }
0x14e: {  	s18 =	sadd.s32 $0x480, s20;
	s9 =	sadd.s32 $0x8780, s20;
	s23 =	sadd.s32 $0x8800, s20;
	(v2sf) =	vpush v1, $0x4  }
0x14f: {  	s2 =	sadd.s32 $0x8480, s20;
	[dreg:$0x11] =	wrdreg s23;
	s24 =	sadd.s32 $0x800, s20  }
0x150: {  	s31 =	sadd.s32 $0x8400, s20;
	[dreg:$0x13] =	wrdreg s24;
	s6 =	spop (v2sf)  }
0x151: {  	s25 =	sadd.s32 $0x10, s25;
	s23 =	sand.u32 $0x1FFFFFF0, s6;
	s24 =	spop (v2sf)  }
0x152: {  	(v2sf) =	vpush v63, $0x4;
	s23 =	sadd.s32 s3, s23;
	s24 =	sand.u32 $0x1FFFFFF0, s24;
	s6 =	spop (v2sf)  }
0x153: {  	[tilespmem:s15], [sflag:$0x1] =	stream.linear.gather [hbm4b:s23+s1], $0x80, $0x38;
	[tilespmem:$0x10400] =	vst v63  }
0x154: {  	(v2sf) =	vpush v1, $0x5;
	s23 =	sadd.s32 s4, s24;
	s6 =	sand.u32 $0x1FFFFFF0, s6;
	s24 =	spop (v2sf)  }
0x155: {  	[tilespmem:s31], [sflag:$0x3] =	stream.linear.gather [hbm4b:s23+s1], $0x80, $0x38;
	[tilespmem:$0x10400] =	vst v63  }
0x156: {  	(v2sf) =	vpush v63, $0x5;
	s6 =	sadd.s32 s3, s6;
	s24 =	sand.u32 $0x1FFFFFF0, s24;
	s31 =	spop (v2sf)  }
0x157: {  	[tilespmem:s18], [sflag:$0x2] =	stream.linear.gather [hbm4b:s6+s1], $0x80, $0x38;
	[tilespmem:$0x10400] =	vst v63  }
0x158: {  	(v2sf) =	vpush v1, $0x6;
	s18 =	sadd.s32 s4, s24;
	s24 =	sand.u32 $0x1FFFFFF0, s31;
	s31 =	spop (v2sf)  }
0x159: {  	[tilespmem:s2], [sflag:$0x4] =	stream.linear.gather [hbm4b:s18+s1], $0x80, $0x38;
	[tilespmem:$0x10400] =	vst v63  }
0x15a: {  	(v2sf) =	vpush v63, $0x6;
	s23 =	sadd.s32 s3, s24;
	s24 =	sand.u32 $0x1FFFFFF0, s31;
	s31 =	spop (v2sf)  }
0x15b: {  	[tilespmem:s22], [sflag:$0x1] =	stream.linear.gather [hbm4b:s23+s1], $0x80, $0x38;
	[tilespmem:$0x10400] =	vst v63  }
0x15c: {  	s26 =	sadd.s32 $0x10, s26;
	(v2sf) =	vpush v1, $0x7;
	s6 =	sadd.s32 s4, s24;
	s22 =	spop (v2sf)  }
0x15d: {  	s18 =	sand.u32 $0x1FFFFFF0, s31;
	(v2sf) =	vpush v63, $0x7;
	s24 =	sand.u32 $0x1FFFFFF0, s22;
	s31 =	spop (v2sf)  }
0x15e: {  	[tilespmem:s0], [sflag:$0x3] =	stream.linear.gather [hbm4b:s6+s1], $0x80, $0x38;
	[tilespmem:$0x10400] =	vst v63  }
0x15f: {  	s23 =	sadd.s32 s3, s18;
	(v2sf) =	vpush v1, $0x8;
	s15 =	sadd.s32 s4, s24;
	s18 =	sand.u32 $0x1FFFFFF0, s31  }
0x160: {  	[tilespmem:s7], [sflag:$0x2] =	stream.linear.gather [hbm4b:s23+s1], $0x80, $0x38;
	[tilespmem:$0x10400] =	vst v63  }
0x161: {  	s6 =	rddreg [dreg:$0x5];
	s23 =	sadd.s32 s3, s18;
	s22 =	spop (v2sf)  }
0x162: {  	[tilespmem:s19], [sflag:$0x4] =	stream.linear.gather [hbm4b:s15+s1], $0x80, $0x38;
	[tilespmem:$0x10400] =	vst v63  }
0x163: {  	(v2sf) =	vpush v63, $0x8;
	s24 =	sand.u32 $0x1FFFFFF0, s22;
	s31 =	spop (v2sf);
	s22 =	rddreg [dreg:$0x15]  }
0x164: {  	[tilespmem:s16], [sflag:$0x1] =	stream.linear.gather [hbm4b:s23+s1], $0x80, $0x38;
	[tilespmem:$0x10400] =	vst v63  }
0x165: {  	(v2sf) =	vpush v1, $0x9;
	s7 =	sadd.s32 s4, s24;
	s15 =	sand.u32 $0x1FFFFFF0, s31;
	s16 =	spop (v2sf)  }
0x166: {  	[tilespmem:s17], [sflag:$0x3] =	stream.linear.gather [hbm4b:s7+s1], $0x80, $0x38;
	[tilespmem:$0x10400] =	vst v63  }
0x167: {  	s18 =	sand.u32 $0x1FFFFFF0, s16;
	s19 =	spop (v2sf);
	s17 =	sadd.s32 s3, s15  }
0x168: {  	(v2sf) =	vpush v63, $0x9;
	[tilespmem:s22], [sflag:$0x2] =	stream.linear.gather [hbm4b:s17+s1], $0x80, $0x38;
	[tilespmem:$0x10400] =	vst v63  }
0x169: {  	s23 =	sadd.s32 s4, s18;
	s24 =	sand.u32 $0x1FFFFFF0, s19;
	s31 =	spop (v2sf)  }
0x16a: {  	(v2sf) =	vpush v1, $0xA;
	[tilespmem:s14], [sflag:$0x4] =	stream.linear.gather [hbm4b:s23+s1], $0x80, $0x38;
	[tilespmem:$0x10400] =	vst v63  }
0x16b: {  	s2 =	sadd.s32 s3, s24;
	s7 =	sand.u32 $0x1FFFFFF0, s31;
	s14 =	spop (v2sf)  }
0x16c: {  	(v2sf) =	vpush v63, $0xA;
	s15 =	sadd.s32 s4, s7;
	s16 =	sand.u32 $0x1FFFFFF0, s14;
	s17 =	spop (v2sf)  }
0x16d: {  	[tilespmem:s13], [sflag:$0x1] =	stream.linear.gather [hbm4b:s2+s1], $0x80, $0x38;
	[tilespmem:$0x10400] =	vst v63  }
0x16e: {  	s18 =	sadd.s32 s3, s16;
	s19 =	sand.u32 $0x1FFFFFF0, s17;
	s22 =	spop (v2sf)  }
0x16f: {  	[tilespmem:s11], [sflag:$0x3] =	stream.linear.gather [hbm4b:s15+s1], $0x80, $0x38;
	[tilespmem:$0x10400] =	vst v63  }
0x170: {  	(v2sf) =	vpush v1, $0xB;
	s16 =	rddreg [dreg:$0x11];
	s23 =	sadd.s32 s4, s19;
	s24 =	sand.u32 $0x1FFFFFF0, s22  }
0x171: {  	[tilespmem:s10], [sflag:$0x2] =	stream.linear.gather [hbm4b:s18+s1], $0x80, $0x38;
	[tilespmem:$0x10400] =	vst v63  }
0x172: {  	(v2sf) =	vpush v63, $0xB;
	s22 =	rddreg [dreg:$0xb];
	s11 =	smov.u32 s8;
	s31 =	spop (v2sf)  }
0x173: {  	(v2sf) =	vpush v1, $0xC;
	[tilespmem:s9], [sflag:$0x4] =	stream.linear.gather [hbm4b:s23+s1], $0x80, $0x38;
	[tilespmem:$0x10400] =	vst v63  }
0x174: {  	s7 =	sadd.s32 s3, s24;
	s8 =	sand.u32 $0x1FFFFFF0, s31;
	s9 =	spop (v2sf)  }
0x175: {  	(v2sf) =	vpush v63, $0xC;
	s10 =	rddreg [dreg:$0x13];
	s13 =	sadd.s32 s4, s8;
	s14 =	sand.u32 $0x1FFFFFF0, s9  }
0x176: {  	[tilespmem:s10], [sflag:$0x1] =	stream.linear.gather [hbm4b:s7+s1], $0x80, $0x38;
	[tilespmem:$0x10400] =	vst v63  }
0x177: {  	s8 =	rddreg [dreg:$0xf];
	s15 =	spop (v2sf);
	s17 =	sadd.s32 s3, s14  }
0x178: {  	[tilespmem:s16], [sflag:$0x3] =	stream.linear.gather [hbm4b:s13+s1], $0x80, $0x38;
	[tilespmem:$0x10400] =	vst v63  }
0x179: {  	s18 =	sand.u32 $0x1FFFFFF0, s15;
	s19 =	spop (v2sf);
	s14 =	rddreg [dreg:$0xd]  }
0x17a: {  	[tilespmem:s22], [sflag:$0x2] =	stream.linear.gather [hbm4b:s17+s1], $0x80, $0x38;
	[tilespmem:$0x10400] =	vst v63  }
0x17b: {  	s23 =	sadd.s32 s4, s18;
	s24 =	sand.u32 $0x1FFFFFF0, s19;
	s31 =	spop (v2sf)  }
0x17c: {  	[tilespmem:s8], [sflag:$0x4] =	stream.linear.gather [hbm4b:s23+s1], $0x80, $0x38;
	[tilespmem:$0x10400] =	vst v63  }
0x17d: {  	s18 =	rddreg [dreg:$0x7];
	s9 =	sadd.s32 s3, s24;
	s10 =	sand.u32 $0x1FFFFFF0, s31  }
0x17e: {  	[tilespmem:s14], [sflag:$0x1] =	stream.linear.gather [hbm4b:s9+s1], $0x80, $0x38;
	[tilespmem:$0x10400] =	vst v63  }
0x17f: {  	s31 =	rddreg [dreg:$0x9];
	s15 =	sadd.s32 s4, s10;
	s13 =	spop (v2sf)  }
0x180: {  	(v2sf) =	vpush v1, $0xD;
	[tilespmem:s18], [sflag:$0x3] =	stream.linear.gather [hbm4b:s15+s1], $0x80, $0x38;
	[tilespmem:$0x10400] =	vst v63  }
.Ltmp1:
0x181: {  	(v2sf) =	vpush v63, $0xD;
	s16 =	sand.u32 $0x1FFFFFF0, s13;
	s17 =	spop (v2sf);
	(pc) =	sbr.rel @p0 .LBB2_4-.Ltmp1, $4  }
0x182: {  	(v2sf) =	vpush v1, $0xE;
	s19 =	sadd.s32 s3, s16;
	s22 =	sand.u32 $0x1FFFFFF0, s17;
	s23 =	spop (v2sf)  }
0x183: {  	(v2sf) =	vpush v63, $0xE;
	[tilespmem:s5], [sflag:$0x2] =	stream.linear.gather [hbm4b:s19+s1], $0x80, $0x38;
	[tilespmem:$0x10400] =	vst v63  }
0x184: {  	(v2sf) =	vpush v1, $0xF;
	s24 =	sadd.s32 s4, s22;
	s0 =	sand.u32 $0x1FFFFFF0, s23;
	s2 =	spop (v2sf)  }
0x185: {  	(v2sf) =	vpush v63, $0xF;
	[tilespmem:s31], [sflag:$0x4] =	stream.linear.gather [hbm4b:s24+s1], $0x80, $0x38;
	[tilespmem:$0x10400] =	vst v63  }
0x186: {  	_ =	sdelay $0x4  }
0x187: {  	s0 =	sadd.s32 s3, s0;
	s2 =	sand.u32 $0x1FFFFFF0, s2  }
0x188: {  	[tilespmem:s30], [sflag:$0x1] =	stream.linear.gather [hbm4b:s0+s1], $0x80, $0x38;
	[tilespmem:$0x10400] =	vst v63  }
0x189: {  	s26 =	sadd.s32 s4, s2  }
0x18a: {  	[tilespmem:s6], [sflag:$0x3] =	stream.linear.gather [hbm4b:s26+s1], $0x80, $0x38;
	[tilespmem:$0x10400] =	vst v63  }
0x18b: {  	s5 =	spop (v2sf)  }
0x18c: {  	s30 =	sand.u32 $0x1FFFFFF0, s5;
	s31 =	spop (v2sf)  }
0x18d: {  	s2 =	sadd.s32 s3, s30;
	s6 =	sand.u32 $0x1FFFFFF0, s31;
	s7 =	spop (v2sf)  }
0x18e: {  	[tilespmem:s12], [sflag:$0x2] =	stream.linear.gather [hbm4b:s2+s1], $0x80, $0x38;
	[tilespmem:$0x10400] =	vst v63  }
0x18f: {  	s8 =	sadd.s32 s4, s6;
	s9 =	sand.u32 $0x1FFFFFF0, s7;
	s10 =	spop (v2sf)  }
0x190: {  	[tilespmem:s11], [sflag:$0x4] =	stream.linear.gather [hbm4b:s8+s1], $0x80, $0x38;
	[tilespmem:$0x10400] =	vst v63  }
0x191: {  	s12 =	sadd.s32 s3, s9;
	s13 =	sand.u32 $0x1FFFFFF0, s10;
	s14 =	spop (v2sf)  }
0x192: {  	[tilespmem:s29], [sflag:$0x1] =	stream.linear.gather [hbm4b:s12+s1], $0x80, $0x38;
	[tilespmem:$0x10400] =	vst v63  }
0x193: {  	s15 =	sadd.s32 s4, s13;
	s16 =	sand.u32 $0x1FFFFFF0, s14;
	s17 =	spop (v2sf)  }
0x194: {  	[tilespmem:s28], [sflag:$0x3] =	stream.linear.gather [hbm4b:s15+s1], $0x80, $0x38;
	[tilespmem:$0x10400] =	vst v63  }
0x195: {  	s18 =	sadd.s32 $0xB80, s20;
	s2 =	sadd.s32 s3, s16;
	s5 =	sand.u32 $0x1FFFFFF0, s17  }
0x196: {  	[tilespmem:s18], [sflag:$0x2] =	stream.linear.gather [hbm4b:s2+s1], $0x80, $0x38;
	[tilespmem:$0x10400] =	vst v63  }
0x197: {  	s19 =	sadd.s32 $0x8B80, s20;
	s21 =	simm.s32 $0x1;
	s20 =	sadd.s32 s4, s5  }
0x198: {  	[tilespmem:s19], [sflag:$0x4] =	stream.linear.gather [hbm4b:s20+s1], $0x80, $0x38;
	[tilespmem:$0x10400] =	vst v63  }
0x199: {  	_ =	swait.ge [sflag:s21], $0x4000  }
0x19a: {  	[sflag:s21] =	ssyncset.done $0x0  }
0x19b: {  	s22 =	simm.s32 $0x2;
	[sflag:s21] =	ssyncadd.s32 $0xFFFFC000  }
0x19c: {  	_ =	swait.ge [sflag:s22], $0x4000  }
0x19d: {  	s24 =	simm.s32 $0x400;
	[sflag:s22] =	ssyncset.done $0x0  }
0x19e: {  	s5 =	simm.s32 $0x5;
	s23 =	rddreg [dreg:$0x1a];
	[sflag:s22] =	ssyncadd.s32 $0xFFFFC000  }
0x19f: {  	[hbm4b:s23+s1] =	stream.linear.scatter [tilespmem:s24], [sflag:$0x5], $0x8000, $0x38;
	[tilespmem:$0x10400] =	vst v63  }
0x1a0: {  	_ =	swait.ge [sflag:s5], $0x8000  }
0x1a1: {  	[sflag:s5] =	ssyncset.done $0x0  }
0x1a2: {  	s25 =	simm.s32 $0x3;
	[sflag:s5] =	ssyncadd.s32 $0xFFFF8000  }
0x1a3: {  	_ =	swait.ge [sflag:s25], $0x4000  }
0x1a4: {  	[sflag:s25] =	ssyncset.done $0x0  }
0x1a5: {  	s26 =	simm.s32 $0x4;
	[sflag:s25] =	ssyncadd.s32 $0xFFFFC000  }
0x1a6: {  	_ =	swait.ge [sflag:s26], $0x4000  }
0x1a7: {  	[sflag:s26] =	ssyncset.done $0x0  }
0x1a8: {  	s29 =	simm.s32 $0x8400;
	s28 =	rddreg [dreg:$0x1b];
	[sflag:s26] =	ssyncadd.s32 $0xFFFFC000  }
0x1a9: {  	[hbm4b:s28+s1] =	stream.linear.scatter [tilespmem:s29], [sflag:$0x5], $0x8000, $0x38;
	[tilespmem:$0x10400] =	vst v63  }
0x1aa: {  	_ =	swait.ge [sflag:s5], $0x8000  }
0x1ab: {  	s30 =	rddreg [dreg:$0x1d]  }
0x1ac: {  	s31 =	rddreg [dreg:$0x1c];
	s2 =	sadd.s32 $0x1, s30  }
0x1ad: {  	p0 =	sne.s32 s2, s31  }
.Ltmp2:
0x1ae: {  	_ = 	snop;
	(pc) =	sbr.rel @p0 .LBB2_1-.Ltmp2, $3  }
0x1af: {  	_ =	sdelay $0x1  }
0x1b0: {  	[sflag:s5] =	ssyncset.done $0x0  }
0x1b1: {  	[sflag:s5] =	ssyncadd.s32 $0xFFFF8000  }
0x1b2: {  	_ =	sfence.sel $0x180000  }
0x1b3: {  	[bflag:$0x0] =	sbarrier.arrive $0xFFFF  }
0x1b4: {  	_ =	strace $0x90000047  }
0x1b5: {  	s0 =	stileid.u32;
	[bflag:$0x2] =	sbarrier.arrive $0xFFFF  }
0x1b6: {  	p0 =	sne.s32 s0, $0x0;
	s0 =	rddreg [dreg:$0x3]  }
0x1b7: {  	s0 =	sadd.s32 @!p0 $0x100000, s0  }
0x1b8: {  	[sflag:s0] =	ssyncadd.tile.s32 @!p0 $0x1;
	_ =	shalt  }
.Lfunc_end2:
_tile_overlayer_lowered:
.L_overlay_start_2:
0x1b9: {  	(tag) =	ssettag $0x2  }
0x1ba: {  	s0 =	rddreg [dreg:$0x0];
	s2 =	stileid.u32  }
0x1bb: {  	s1 =	rddreg [dreg:$0x1];
	p0 =	sne.s32 s2, $0x0  }
0x1bc: {  	s3 =	rddreg [dreg:$0x2];
	[bflag:$0x3] =	sbarrier.arrive $0xFFFF;
	s2 =	simm.s32 @!p0 $0x1C05  }
0x1bd: {  	[timem:s3], [sflag:s2] =	dma.local @!p0 [hbm:s0], s1  }
0x1be: {  	s0 =	simm.s32 @!p0 $0x5  }
0x1bf: {  	_ =	swait.ge @!p0 [sflag:s0], s1  }
0x1c0: {  	s1 =	ssub.s32 @!p0 $0x0, s1;
	[sflag:s0] =	ssyncset.done @!p0 $0x0  }
0x1c1: {  	[sflag:s0] =	ssyncadd.s32 @!p0 s1  }
0x1c2: {  	[bflag:$0x3] =	sbarrier.arrive $0xFFFF  }
0x1c3: {  	_ =	shalt  }

</sc_bundles>
